<compile_context>
chip_gen: v7x
topology: tpu7x:2x2x1
jax: 0.10.2.dev20260603
libtpu: 0.0.44.dev20260713+nightly
codegen_flags: <defaults>
</compile_context>

<pallas_src>
import functools

import jax
import jax.numpy as jnp
from jax import lax
from jax.experimental import pallas as pl
from jax.experimental.pallas import tpu as pltpu
from jax.experimental.pallas import tpu_sc as plsc

NROI = 100000
FD = 256
KSEL = 256
NHEADS = 8
HDIM = FD // NHEADS
LANES = 128
ROWS2D = 784
NPAD = ROWS2D * LANES
NTILES = 16
CHUNK = NPAD // NTILES
NVEC = CHUNK // 16
IDXBUF = 512
TRASH = IDXBUF - 4
SELBUF = 272
SELTRASH = SELBUF - 8
RBLK = 5000

_DG = lax.dot_general
_DN_T = (((1,), (1,)), ((), ()))
_DN_N = (((1,), (0,)), ((), ()))


def _score_copy_body(x_ref, wp_ref, bp_ref, out_ref, s_ref):
    x = x_ref[...]
    out_ref[...] = x
    w = wp_ref[...]
    bf = jnp.bfloat16
    f32 = jnp.float32
    xh = x.astype(bf)
    xl = (x - xh.astype(f32)).astype(bf)
    wh = w.astype(bf)
    wl = (w - wh.astype(f32)).astype(bf)
    s = (
        lax.dot_general(xh, wh, _DN_T, preferred_element_type=f32)
        + lax.dot_general(xh, wl, _DN_T, preferred_element_type=f32)
        + lax.dot_general(xl, wh, _DN_T, preferred_element_type=f32)
    )
    s_ref[...] = s[:, 0:1] + bp_ref[0, 0]


def _score_copy(roi, wp, bp2d):
    wp = jnp.concatenate([wp, jnp.zeros((7, FD), jnp.float32)], axis=0)
    grid = NROI // RBLK
    return pl.pallas_call(
        _score_copy_body,
        grid=(grid,),
        in_specs=[
            pl.BlockSpec((RBLK, FD), lambda i: (i, 0)),
            pl.BlockSpec((8, FD), lambda i: (0, 0)),
            pl.BlockSpec(memory_space=pltpu.MemorySpace.SMEM),
        ],
        out_specs=[
            pl.BlockSpec((RBLK, FD), lambda i: (i, 0)),
            pl.BlockSpec((RBLK, 1), lambda i: (i, 0)),
        ],
        out_shape=[
            jax.ShapeDtypeStruct((NROI, FD), jnp.float32),
            jax.ShapeDtypeStruct((NPAD, 1), jnp.float32),
        ],
    )(roi, wp, bp2d)


def _thresh_body(s_ref, t_ref):
    u = lax.bitcast_convert_type(s_ref[...], jnp.uint32)
    m = jnp.where(
        u >= jnp.uint32(0x80000000),
        jnp.uint32(0xFFFFFFFF),
        jnp.uint32(0x80000000),
    )
    ku = u ^ m
    row = lax.broadcasted_iota(jnp.int32, (ROWS2D, LANES), 0)
    lane = lax.broadcasted_iota(jnp.int32, (ROWS2D, LANES), 1)
    ku = jnp.where(row * LANES + lane < NROI, ku, jnp.uint32(0))

    def body(i, t):
        b = (31 - i).astype(jnp.uint32)
        cand = t | (jnp.uint32(1) << b)
        cnt = jnp.sum((ku >= cand).astype(jnp.int32))
        return jnp.where(cnt >= KSEL, cand, t)

    t = lax.fori_loop(0, 32, body, jnp.uint32(0))
    ubits = jnp.where(t >= jnp.uint32(0x80000000), t ^ jnp.uint32(0x80000000), ~t)
    tf = lax.bitcast_convert_type(ubits, jnp.float32)
    t_ref[...] = jnp.full((1, LANES), tf, jnp.float32)


def _threshold(scores2d):
    return pl.pallas_call(
        _thresh_body,
        out_shape=jax.ShapeDtypeStruct((1, LANES), jnp.float32),
    )(scores2d)


@functools.cache
def _sc_select_build():
    mesh = plsc.VectorSubcoreMesh(
        core_axis_name="c", subcore_axis_name="s", num_cores=1,
        num_subcores=NTILES,
    )

    @functools.partial(
        pl.kernel,
        out_type=(
            jax.ShapeDtypeStruct((IDXBUF,), jnp.int32),
            jax.ShapeDtypeStruct((SELBUF, FD), jnp.float32),
        ),
        mesh=mesh,
        compiler_params=pltpu.CompilerParams(needs_layout_passes=False),
        scratch_types=[
            pltpu.VMEM((CHUNK,), jnp.float32),
            pltpu.VMEM((272,), jnp.int32),
            pltpu.VMEM((16,), jnp.float32),
            pltpu.VMEM((16, FD), jnp.float32),
            pltpu.SMEM((8,), jnp.int32),
            pltpu.SemaphoreType.DMA,
        ],
    )
    def sc_select(
        scores_hbm, thr_hbm, roi_hbm, idx_hbm, sel_hbm,
        s_v, loc_v, thr_v, rows_v, cnt_smem, sem,
    ):
        sid = lax.axis_index("s")

        @pl.when(sid == 0)
        def _():
            cnt_smem[0] = 0

        plsc.subcore_barrier()

        pltpu.sync_copy(scores_hbm.at[pl.ds(sid * CHUNK, CHUNK)], s_v)
        pltpu.sync_copy(thr_hbm, thr_v)
        tvec = thr_v[...]
        lanes = lax.iota(jnp.int32, 16)

        def scan_body(v, run):
            s16 = s_v[pl.ds(v * 16, 16)]
            lin = sid * CHUNK + v * 16 + lanes
            msk = (s16 >= tvec) & (lin < NROI)
            c = jnp.sum(msk.astype(jnp.int32))
            plsc.store_compressed(loc_v.at[pl.ds(run, 16)], lin, mask=msk)
            return jnp.minimum(run + c, KSEL)

        run = lax.fori_loop(0, NVEC, scan_body, 0)
        base = plsc.fetch_and_add(cnt_smem.at[0], run, subcore_id=0)

        nv = (run + 15) // 16

        def scat_body(v, carry):
            lane_g = v * 16 + lanes
            ok = (lane_g < run) & (base + lane_g < KSEL)
            pos = jnp.where(ok, base + lane_g, TRASH)
            pltpu.sync_copy(loc_v.at[pl.ds(v * 16, 16)], idx_hbm.at[pos])
            idx16 = loc_v[pl.ds(v * 16, 16)]
            idx16 = jnp.minimum(jnp.maximum(idx16, 0), NROI - 1)
            pltpu.async_copy(roi_hbm.at[idx16], rows_v, sem).wait()
            rpos = jnp.where(ok, base + lane_g, SELTRASH)
            pltpu.sync_copy(rows_v, sel_hbm.at[rpos])
            return carry

        lax.fori_loop(0, nv, scat_body, 0)

    return sc_select


def _attn_scatter_body(
    idx_ref, x_ref, wq_ref, bq_ref, wk_ref, bk_ref, wv_ref, bv_ref,
    wo_ref, bo_ref, base_ref, out_ref, rows_ref, sem,
):
    x = x_ref[...]
    f32 = jnp.float32
    q = _DG(x, wq_ref[...], _DN_T, preferred_element_type=f32) + bq_ref[...]
    k = _DG(x, wk_ref[...], _DN_T, preferred_element_type=f32) + bk_ref[...]
    v = _DG(x, wv_ref[...], _DN_T, preferred_element_type=f32) + bv_ref[...]

    scale = 1.0 / (HDIM**0.5)
    heads = []
    for h in range(NHEADS):
        sl = slice(h * HDIM, (h + 1) * HDIM)
        qh, kh, vh = q[:, sl], k[:, sl], v[:, sl]
        logits = _DG(qh, kh, _DN_T, preferred_element_type=f32) * scale
        qn = qh / (jnp.sqrt(jnp.sum(qh * qh, axis=1, keepdims=True)) + 1e-6)
        kn = kh / (jnp.sqrt(jnp.sum(kh * kh, axis=1, keepdims=True)) + 1e-6)
        sim = _DG(qn, kn, _DN_T, preferred_element_type=f32)
        valid = sim > 0.9
        logits = jnp.where(valid, logits, -10000.0)
        mx = jnp.max(logits, axis=1, keepdims=True)
        e = jnp.exp(logits - mx)
        attn = e / jnp.sum(e, axis=1, keepdims=True)
        attn = jnp.where(jnp.any(valid, axis=1, keepdims=True), attn, 0.0)
        heads.append(_DG(attn, vh, _DN_N, preferred_element_type=f32))

    agg = jnp.concatenate(heads, axis=1)
    cat = jnp.concatenate([agg, x], axis=1)
    fused = _DG(cat, wo_ref[...], _DN_T, preferred_element_type=f32) + bo_ref[...]
    rows_ref[...] = 0.5 * x + 0.5 * fused

    def issue(j, c):
        r = jnp.clip(idx_ref[j], 0, NROI - 1)
        pltpu.make_async_copy(
            rows_ref.at[pl.ds(j, 1)], out_ref.at[pl.ds(r, 1)], sem
        ).start()
        return c

    def drain(j, c):
        pltpu.make_async_copy(
            rows_ref.at[pl.ds(j, 1)], out_ref.at[pl.ds(0, 1)], sem
        ).wait()
        return c

    lax.fori_loop(0, KSEL, issue, 0)
    lax.fori_loop(0, KSEL, drain, 0)


def _attn_scatter(idx, sel, wq, bq, wk, bk, wv, bv, wo, bo, base):
    return pl.pallas_call(
        _attn_scatter_body,
        in_specs=[
            pl.BlockSpec(memory_space=pltpu.MemorySpace.SMEM),
            pl.BlockSpec((KSEL, FD), lambda: (0, 0)),
            pl.BlockSpec((FD, FD), lambda: (0, 0)),
            pl.BlockSpec((1, FD), lambda: (0, 0)),
            pl.BlockSpec((FD, FD), lambda: (0, 0)),
            pl.BlockSpec((1, FD), lambda: (0, 0)),
            pl.BlockSpec((FD, FD), lambda: (0, 0)),
            pl.BlockSpec((1, FD), lambda: (0, 0)),
            pl.BlockSpec((FD, 2 * FD), lambda: (0, 0)),
            pl.BlockSpec((1, FD), lambda: (0, 0)),
            pl.BlockSpec(memory_space=pl.ANY),
        ],
        out_specs=pl.BlockSpec(memory_space=pl.ANY),
        out_shape=jax.ShapeDtypeStruct((NROI, FD), jnp.float32),
        scratch_shapes=[
            pltpu.VMEM((KSEL, FD), jnp.float32),
            pltpu.SemaphoreType.DMA,
        ],
        input_output_aliases={10: 0},
    )(idx, sel, wq, bq, wk, bk, wv, bv, wo, bo, base)


def kernel(roi_features, Wp, bp, Wq, bq, Wk, bk, Wv, bv, Wo, bo):
    out_copy, scores = _score_copy(roi_features, Wp, bp.reshape(1, 1))
    spad = scores.reshape(NPAD)
    t_out = _threshold(scores.reshape(ROWS2D, LANES))
    t16 = t_out[0, :16]
    idxbuf, selbuf = _sc_select_build()(spad, t16, roi_features)
    idx256 = idxbuf[:KSEL]
    selected = selbuf[:KSEL]
    return _attn_scatter(
        idx256, selected,
        Wq, bq.reshape(1, FD), Wk, bk.reshape(1, FD), Wv, bv.reshape(1, FD),
        Wo, bo.reshape(1, FD), out_copy,
    )

# --- scband reference (transcript-rebuilt; emitter-appended) ---
"""Pipeline reference for scband-temporal-roifusion-33818572489227 (READ-ONLY COPY).

The authoritative reference and input builder live on the scoring server;
editing this copy changes nothing except your own understanding.
"""

import jax, jax.numpy as jnp
import numpy as np

N = 100000
FEAT_DIM = 256
NUM_HEADS = 8
TOPK = 256
SIM_THRESH = 0.9


def setup_inputs(seed: int = 0) -> dict:
    key = jax.random.key(seed)
    ks = jax.random.split(key, 12)
    s = 0.02
    return {
        "roi_features": jax.random.normal(ks[0], (N, FEAT_DIM), dtype=jnp.float32),
        "Wp": jax.random.normal(ks[1], (1, FEAT_DIM), dtype=jnp.float32) * s,
        "bp": jnp.zeros((1,), dtype=jnp.float32),
        "Wq": jax.random.normal(ks[2], (FEAT_DIM, FEAT_DIM), dtype=jnp.float32) * s,
        "bq": jnp.zeros((FEAT_DIM,), dtype=jnp.float32),
        "Wk": jax.random.normal(ks[3], (FEAT_DIM, FEAT_DIM), dtype=jnp.float32) * s,
        "bk": jnp.zeros((FEAT_DIM,), dtype=jnp.float32),
        "Wv": jax.random.normal(ks[4], (FEAT_DIM, FEAT_DIM), dtype=jnp.float32) * s,
        "bv": jnp.zeros((FEAT_DIM,), dtype=jnp.float32),
        "Wo": jax.random.normal(ks[5], (FEAT_DIM, 2 * FEAT_DIM), dtype=jnp.float32) * s,
        "bo": jnp.zeros((FEAT_DIM,), dtype=jnp.float32),
    }


def reference(roi_features, Wp, bp, Wq, bq, Wk, bk, Wv, bv, Wo, bo):
    # No context set -> _global_fusion_fallback path (eval mode, dropout = identity).
    head_dim = FEAT_DIM // NUM_HEADS
    keep_k = min(TOPK, roi_features.shape[0])
    scores = (roi_features @ Wp.T + bp)[:, 0]
    _, topk_indices = jax.lax.top_k(scores, keep_k)
    selected = roi_features[topk_indices]

    # _cross_frame_attention(selected, selected)
    q = (selected @ Wq.T + bq).reshape(-1, NUM_HEADS, head_dim).transpose(1, 0, 2)
    k = (selected @ Wk.T + bk).reshape(-1, NUM_HEADS, head_dim).transpose(1, 0, 2)
    v = (selected @ Wv.T + bv).reshape(-1, NUM_HEADS, head_dim).transpose(1, 0, 2)
    logits = jnp.matmul(q, k.transpose(0, 2, 1)) / head_dim ** 0.5
    qn = q / (jnp.linalg.norm(q, axis=-1, keepdims=True) + 1e-06)
    kn = k / (jnp.linalg.norm(k, axis=-1, keepdims=True) + 1e-06)
    sim = jnp.matmul(qn, kn.transpose(0, 2, 1))
    valid_mask = sim > SIM_THRESH
    logits = jnp.where(valid_mask, logits, -10000.0)
    attn = jax.nn.softmax(logits, axis=-1)
    has_match = jnp.any(valid_mask, axis=-1, keepdims=True)
    attn = jnp.where(has_match, attn, jnp.zeros_like(attn))
    aggregated = jnp.matmul(attn, v).transpose(1, 0, 2).reshape(keep_k, FEAT_DIM)
    fused = jnp.concatenate([aggregated, selected], axis=-1) @ Wo.T + bo

    output = roi_features.at[topk_indices].set(0.5 * selected + 0.5 * fused)
    return output

if __name__ == "__main__":
    import jax
    _d = setup_inputs()
    print(jax.jit(kernel)(*tuple(_d.values())))

</pallas_src>

<mosaic_0001>
#map = affine_map<(d0, d1) -> (0)>
#map1 = affine_map<(d0, d1) -> (0, 0)>
module attributes {stable_mosaic.version = 14 : i64} {
  func.func @sc_select(%arg0: i32, %arg1: i32, %arg2: memref<100352xf32, #tpu.memory_space<hbm>>, %arg3: memref<16xf32, #tpu.memory_space<hbm>>, %arg4: memref<100000x256xf32, #tpu.memory_space<hbm>>, %arg5: memref<512xi32, #tpu.memory_space<hbm>>, %arg6: memref<272x256xf32, #tpu.memory_space<hbm>>, %arg7: memref<6272xf32, #tpu.memory_space<vmem>>, %arg8: memref<272xi32, #tpu.memory_space<vmem>>, %arg9: memref<16xf32, #tpu.memory_space<vmem>>, %arg10: memref<16x256xf32, #tpu.memory_space<vmem>>, %arg11: memref<8xi32, #tpu.memory_space<smem>>, %arg12: memref<!tpu.dma_semaphore, #tpu.memory_space<semaphore_mem>>) attributes {dimension_semantics = [#tpu.dimension_semantics<core_parallel>, #tpu.dimension_semantics<subcore_parallel>], iteration_bounds = array<i64: 1, 16>, scalar_prefetch = 0 : i64, scratch_operands = 6 : i64, tpu.core_type = #tpu.core_type<sc_vector_subcore>, window_params = [{transform_indices = #map}, {transform_indices = #map}, {transform_indices = #map1}, {transform_indices = #map}, {transform_indices = #map1}]} {
    %eq3A = arith.constant 0 : i32
    %eq3A_0 = arith.cmpi eq, %arg1, %eq3A : i32
    %convert_element_type3A = arith.extui %eq3A_0 : i1 to i32
    %cond3A = arith.constant 0 : i32
    %cond3A_1 = arith.cmpi ne, %convert_element_type3A, %cond3A : i32
    scf.if %cond3A_1 {
      %swap3A = arith.constant 0 : i32
      %swap3A_38 = arith.constant 0 : i32
      %swap3A_39 = arith.index_cast %swap3A_38 : i32 to index
      %swap3A_40 = memref.load %arg11[%swap3A_39] : memref<8xi32, #tpu.memory_space<smem>>
      memref.store %swap3A, %arg11[%swap3A_39] : memref<8xi32, #tpu.memory_space<smem>>
    } else {
    }
    %barrier3A = arith.constant 0 : index
    tpu.barrier barrier_id(%barrier3A)
    %mul3A = arith.constant 6272 : i32
    %mul3A_2 = arith.muli %arg1, %mul3A : i32
    "tpu.region"() ({
      %run_scoped3A = tpu.sem_alloc : memref<!tpu.dma_semaphore, #tpu.memory_space<semaphore_mem>>
      %dma_start3A = tpu.memref_slice %arg2[%mul3A_2] : memref<100352xf32, #tpu.memory_space<hbm>> -> memref<6272xf32, #tpu.memory_space<hbm>>
      %dma_start3A_38 = tpu.memref_slice %arg2[%mul3A_2] : memref<100352xf32, #tpu.memory_space<hbm>> -> memref<6272xf32, #tpu.memory_space<hbm>>
      tpu.enqueue_dma source(%dma_start3A_38 : memref<6272xf32, #tpu.memory_space<hbm>>) target(%arg7 : memref<6272xf32, #tpu.memory_space<vmem>>) target_semaphore(%run_scoped3A : memref<!tpu.dma_semaphore, #tpu.memory_space<semaphore_mem>>)
      %dma_wait3A = tpu.memref_slice %arg2[%mul3A_2] : memref<100352xf32, #tpu.memory_space<hbm>> -> memref<6272xf32, #tpu.memory_space<hbm>>
      %dma_wait3A_39 = tpu.memref_slice %arg2[%mul3A_2] : memref<100352xf32, #tpu.memory_space<hbm>> -> memref<6272xf32, #tpu.memory_space<hbm>>
      tpu.wait_dma2 semaphore(%run_scoped3A : memref<!tpu.dma_semaphore, #tpu.memory_space<semaphore_mem>>) src(%dma_wait3A_39 : memref<6272xf32, #tpu.memory_space<hbm>>) dst(%arg7 : memref<6272xf32, #tpu.memory_space<vmem>>)
      tpu.yield
    }) : () -> ()
    "tpu.region"() ({
      %run_scoped3A = tpu.sem_alloc : memref<!tpu.dma_semaphore, #tpu.memory_space<semaphore_mem>>
      tpu.enqueue_dma source(%arg3 : memref<16xf32, #tpu.memory_space<hbm>>) target(%arg9 : memref<16xf32, #tpu.memory_space<vmem>>) target_semaphore(%run_scoped3A : memref<!tpu.dma_semaphore, #tpu.memory_space<semaphore_mem>>)
      tpu.wait_dma2 semaphore(%run_scoped3A : memref<!tpu.dma_semaphore, #tpu.memory_space<semaphore_mem>>) src(%arg3 : memref<16xf32, #tpu.memory_space<hbm>>) dst(%arg9 : memref<16xf32, #tpu.memory_space<vmem>>)
      tpu.yield
    }) : () -> ()
    %get3A = arith.constant 0 : index
    %get3A_3 = tpu.vector_load %arg9[%get3A] {strides = array<i32>} : memref<16xf32, #tpu.memory_space<vmem>>, vector<16xf32>,
    %iota3A = tpu.iota {dimensions = array<i32: 0>} : vector<16xi32>
    %scan3A = arith.constant 0 : i32
    %scan3A_4 = arith.constant 0 : i32
    %scan3A_5 = arith.constant 392 : i32
    %scan3A_6 = arith.addi %scan3A_4, %scan3A_5 : i32
    %scan3A_7 = arith.constant 1 : i32
    %scan3A_8 = scf.for %scan3A_38 = %scan3A_4 to %scan3A_6 step %scan3A_7 iter_args(%scan3A_39 = %scan3A) -> (i32)  : i32 {
      %mul3A_40 = arith.constant 16 : i32
      %mul3A_41 = arith.muli %scan3A_38, %mul3A_40 : i32
      %get3A_42 = arith.index_cast %mul3A_41 : i32 to index
      %get3A_43 = tpu.vector_load %arg7[%get3A_42] {strides = array<i32>} : memref<6272xf32, #tpu.memory_space<vmem>>, vector<16xf32>,
      %mul3A_44 = arith.constant 6272 : i32
      %mul3A_45 = arith.muli %arg1, %mul3A_44 : i32
      %mul3A_46 = arith.constant 16 : i32
      %mul3A_47 = arith.muli %scan3A_38, %mul3A_46 : i32
      %add3A_48 = arith.addi %mul3A_45, %mul3A_47 : i32
      %add3A_49 = vector.broadcast %add3A_48 : i32 to vector<16xi32>
      %add3A_50 = arith.addi %add3A_49, %iota3A : vector<16xi32>
      %ge3A = arith.cmpf oge, %get3A_43, %get3A_3 : vector<16xf32>
      %lt3A = arith.constant 100000 : i32
      %lt3A_51 = vector.broadcast %lt3A : i32 to vector<16xi32>
      %lt3A_52 = arith.cmpi slt, %add3A_50, %lt3A_51 : vector<16xi32>
      %and3A_53 = arith.andi %ge3A, %lt3A_52 : vector<16xi1>
      %convert_element_type3A_54 = arith.extui %and3A_53 : vector<16xi1> to vector<16xi32>
      %reduce_sum3A = arith.constant true
      %reduce_sum3A_55 = vector.broadcast %reduce_sum3A : i1 to vector<16xi1>
      %reduce_sum3A_56 = tpu.scan <sum>, %convert_element_type3A_54 masked %reduce_sum3A_55 : vector<16xi32>, vector<16xi1> -> vector<16xi32>
      %reduce_sum3A_57 = vector.extract %reduce_sum3A_56[15] : i32 from vector<16xi32>
      %swap3A = arith.index_cast %scan3A_39 : i32 to index
      %swap3A_58 = tpu.vector_load %arg8[%swap3A] masked %and3A_53 {strides = array<i32>} : memref<272xi32, #tpu.memory_space<vmem>>, vector<16xi32>, vector<16xi1>
      tpu.vector_store %arg8[%swap3A], %add3A_50 masked %and3A_53 {strides = array<i32>} : memref<272xi32, #tpu.memory_space<vmem>>, vector<16xi32>, vector<16xi1>
      %add3A_59 = arith.addi %scan3A_39, %reduce_sum3A_57 : i32
      %min3A = arith.constant 256 : i32
      %min3A_60 = arith.minsi %add3A_59, %min3A : i32
      scf.yield %min3A_60 : i32
    }
    %scan3A_9 = arith.constant 392 : i32
    %sc_fetch_and_add3A = arith.constant 0 : i32
    %sc_fetch_and_add3A_10 = arith.constant 0 : i32
    %sc_fetch_and_add3A_11 = tpu.fetch_and_add_sync %arg11[%sc_fetch_and_add3A], %scan3A_8, %sc_fetch_and_add3A_10 : memref<8xi32, #tpu.memory_space<smem>>, i32 -> i32
    %add3A = arith.constant 15 : i32
    %add3A_12 = arith.addi %scan3A_8, %add3A : i32
    %jit3A = arith.constant 16 : i32
    %div3A = arith.divsi %add3A_12, %jit3A : i32
    %sign3A = arith.constant 0 : i32
    %sign3A_13 = arith.cmpi sgt, %add3A_12, %sign3A : i32
    %sign3A_14 = arith.extui %sign3A_13 : i1 to i32
    %sign3A_15 = arith.constant 0 : i32
    %sign3A_16 = arith.cmpi slt, %add3A_12, %sign3A_15 : i32
    %sign3A_17 = arith.extui %sign3A_16 : i1 to i32
    %sign3A_18 = arith.subi %sign3A_14, %sign3A_17 : i32
    %sign3A_19 = arith.constant 0 : i32
    %sign3A_20 = arith.cmpi sgt, %jit3A, %sign3A_19 : i32
    %sign3A_21 = arith.extui %sign3A_20 : i1 to i32
    %sign3A_22 = arith.constant 0 : i32
    %sign3A_23 = arith.cmpi slt, %jit3A, %sign3A_22 : i32
    %sign3A_24 = arith.extui %sign3A_23 : i1 to i32
    %sign3A_25 = arith.subi %sign3A_21, %sign3A_24 : i32
    %ne3A = arith.cmpi ne, %sign3A_18, %sign3A_25 : i32
    %rem3A = arith.remsi %add3A_12, %jit3A : i32
    %ne3A_26 = arith.constant 0 : i32
    %ne3A_27 = arith.cmpi ne, %rem3A, %ne3A_26 : i32
    %and3A = arith.andi %ne3A, %ne3A_27 : i1
    %sub3A = arith.constant 1 : i32
    %sub3A_28 = arith.subi %div3A, %sub3A : i32
    %select_n3A = arith.select %and3A, %sub3A_28, %div3A : i32
    %while3A = arith.constant 0 : i32
    %while3A_29 = arith.constant 0 : i32
    %while3A_30 = arith.subi %select_n3A, %while3A_29 : i32
    %while3A_31 = arith.addi %while3A_29, %while3A_30 : i32
    %while3A_32 = arith.constant 1 : i32
    %while3A_33 = arith.divsi %while3A_30, %while3A_32 : i32
    %while3A_34 = arith.muli %while3A_33, %while3A_32 : i32
    %while3A_35 = arith.addi %while3A_29, %while3A_34 : i32
    %while3A_36 = arith.constant 1 : i32
    scf.for %while3A_38 = %while3A_29 to %while3A_35 step %while3A_36  : i32 {
      %mul3A_39 = arith.constant 16 : i32
      %mul3A_40 = arith.muli %while3A_38, %mul3A_39 : i32
      %add3A_41 = vector.broadcast %mul3A_40 : i32 to vector<16xi32>
      %add3A_42 = arith.addi %add3A_41, %iota3A : vector<16xi32>
      %lt3A = vector.broadcast %scan3A_8 : i32 to vector<16xi32>
      %lt3A_43 = arith.cmpi slt, %add3A_42, %lt3A : vector<16xi32>
      %add3A_44 = vector.broadcast %sc_fetch_and_add3A_11 : i32 to vector<16xi32>
      %add3A_45 = arith.addi %add3A_44, %add3A_42 : vector<16xi32>
      %lt3A_46 = arith.constant 256 : i32
      %lt3A_47 = vector.broadcast %lt3A_46 : i32 to vector<16xi32>
      %lt3A_48 = arith.cmpi slt, %add3A_45, %lt3A_47 : vector<16xi32>
      %and3A_49 = arith.andi %lt3A_43, %lt3A_48 : vector<16xi1>
      %add3A_50 = vector.broadcast %sc_fetch_and_add3A_11 : i32 to vector<16xi32>
      %add3A_51 = arith.addi %add3A_50, %add3A_42 : vector<16xi32>
      %jit3A_52 = arith.constant 508 : i32
      %broadcast_in_dim3A = vector.broadcast %jit3A_52 : i32 to vector<16xi32>
      %select_n3A_53 = arith.select %and3A_49, %add3A_51, %broadcast_in_dim3A : vector<16xi1>, vector<16xi32>
      %mul3A_54 = arith.constant 16 : i32
      %mul3A_55 = arith.muli %while3A_38, %mul3A_54 : i32
      "tpu.region"() ({
        %run_scoped3A = tpu.sem_alloc : memref<!tpu.dma_semaphore, #tpu.memory_space<semaphore_mem>>
        %dma_start3A_73 = tpu.memref_slice %arg8[%mul3A_55] : memref<272xi32, #tpu.memory_space<vmem>> -> memref<16xi32, #tpu.memory_space<vmem>>
        %dma_start3A_74 = arith.constant 0 : i32
        %dma_start3A_75 = tpu.memref_slice %arg5[%dma_start3A_74] : memref<512xi32, #tpu.memory_space<hbm>> -> memref<512xi32, #tpu.memory_space<hbm>>
        tpu.enqueue_indirect_dma source(%dma_start3A_73 : memref<16xi32, #tpu.memory_space<vmem>>) target(%dma_start3A_75 : memref<512xi32, #tpu.memory_space<hbm>>) offsets(%select_n3A_53 : vector<16xi32>) semaphore(%run_scoped3A : memref<!tpu.dma_semaphore, #tpu.memory_space<semaphore_mem>>)
        %dma_wait3A_76 = tpu.memref_slice %arg8[%mul3A_55] : memref<272xi32, #tpu.memory_space<vmem>> -> memref<16xi32, #tpu.memory_space<vmem>>
        %dma_wait3A_77 = arith.constant 0 : i32
        %dma_wait3A_78 = tpu.memref_slice %arg5[%dma_wait3A_77] : memref<512xi32, #tpu.memory_space<hbm>> -> memref<512xi32, #tpu.memory_space<hbm>>
        tpu.wait_indirect_dma semaphore(%run_scoped3A : memref<!tpu.dma_semaphore, #tpu.memory_space<semaphore_mem>>) src(%dma_wait3A_76 : memref<16xi32, #tpu.memory_space<vmem>>) dst(%dma_wait3A_78 : memref<512xi32, #tpu.memory_space<hbm>>)
        tpu.yield
      }) : () -> ()
      %mul3A_56 = arith.constant 16 : i32
      %mul3A_57 = arith.muli %while3A_38, %mul3A_56 : i32
      %get3A_58 = arith.index_cast %mul3A_57 : i32 to index
      %get3A_59 = tpu.vector_load %arg8[%get3A_58] {strides = array<i32>} : memref<272xi32, #tpu.memory_space<vmem>>, vector<16xi32>,
      %max3A = arith.constant 0 : i32
      %max3A_60 = vector.broadcast %max3A : i32 to vector<16xi32>
      %max3A_61 = arith.maxsi %get3A_59, %max3A_60 : vector<16xi32>
      %min3A = arith.constant 99999 : i32
      %min3A_62 = vector.broadcast %min3A : i32 to vector<16xi32>
      %min3A_63 = arith.minsi %max3A_61, %min3A_62 : vector<16xi32>
      %dma_start3A = arith.constant 0 : i32
      %dma_start3A_64 = arith.constant 0 : i32
      %dma_start3A_65 = tpu.memref_slice %arg4[%dma_start3A, %dma_start3A_64] : memref<100000x256xf32, #tpu.memory_space<hbm>> -> memref<100000x256xf32, #tpu.memory_space<hbm>>
      tpu.enqueue_indirect_dma source(%dma_start3A_65 : memref<100000x256xf32, #tpu.memory_space<hbm>>) target(%arg10 : memref<16x256xf32, #tpu.memory_space<vmem>>) offsets(%min3A_63 : vector<16xi32>) semaphore(%arg12 : memref<!tpu.dma_semaphore, #tpu.memory_space<semaphore_mem>>)
      %dma_wait3A = arith.constant 0 : i32
      %dma_wait3A_66 = arith.constant 0 : i32
      %dma_wait3A_67 = tpu.memref_slice %arg4[%dma_wait3A, %dma_wait3A_66] : memref<100000x256xf32, #tpu.memory_space<hbm>> -> memref<100000x256xf32, #tpu.memory_space<hbm>>
      tpu.wait_indirect_dma semaphore(%arg12 : memref<!tpu.dma_semaphore, #tpu.memory_space<semaphore_mem>>) src(%dma_wait3A_67 : memref<100000x256xf32, #tpu.memory_space<hbm>>) dst(%arg10 : memref<16x256xf32, #tpu.memory_space<vmem>>)
      %add3A_68 = vector.broadcast %sc_fetch_and_add3A_11 : i32 to vector<16xi32>
      %add3A_69 = arith.addi %add3A_68, %add3A_42 : vector<16xi32>
      %jit3A_70 = arith.constant 264 : i32
      %broadcast_in_dim3A_71 = vector.broadcast %jit3A_70 : i32 to vector<16xi32>
      %select_n3A_72 = arith.select %and3A_49, %add3A_69, %broadcast_in_dim3A_71 : vector<16xi1>, vector<16xi32>
      "tpu.region"() ({
        %run_scoped3A = tpu.sem_alloc : memref<!tpu.dma_semaphore, #tpu.memory_space<semaphore_mem>>
        %dma_start3A_73 = arith.constant 0 : i32
        %dma_start3A_74 = arith.constant 0 : i32
        %dma_start3A_75 = tpu.memref_slice %arg6[%dma_start3A_73, %dma_start3A_74] : memref<272x256xf32, #tpu.memory_space<hbm>> -> memref<272x256xf32, #tpu.memory_space<hbm>>
        tpu.enqueue_indirect_dma source(%arg10 : memref<16x256xf32, #tpu.memory_space<vmem>>) target(%dma_start3A_75 : memref<272x256xf32, #tpu.memory_space<hbm>>) offsets(%select_n3A_72 : vector<16xi32>) semaphore(%run_scoped3A : memref<!tpu.dma_semaphore, #tpu.memory_space<semaphore_mem>>)
        %dma_wait3A_76 = arith.constant 0 : i32
        %dma_wait3A_77 = arith.constant 0 : i32
        %dma_wait3A_78 = tpu.memref_slice %arg6[%dma_wait3A_76, %dma_wait3A_77] : memref<272x256xf32, #tpu.memory_space<hbm>> -> memref<272x256xf32, #tpu.memory_space<hbm>>
        tpu.wait_indirect_dma semaphore(%run_scoped3A : memref<!tpu.dma_semaphore, #tpu.memory_space<semaphore_mem>>) src(%arg10 : memref<16x256xf32, #tpu.memory_space<vmem>>) dst(%dma_wait3A_78 : memref<272x256xf32, #tpu.memory_space<hbm>>)
        tpu.yield
      }) : () -> ()
    }
    %while3A_37 = arith.constant 1 : i32
    scf.for %while3A_38 = %while3A_35 to %while3A_31 step %while3A_37  : i32 {
      %mul3A_39 = arith.constant 16 : i32
      %mul3A_40 = arith.muli %while3A_38, %mul3A_39 : i32
      %add3A_41 = vector.broadcast %mul3A_40 : i32 to vector<16xi32>
      %add3A_42 = arith.addi %add3A_41, %iota3A : vector<16xi32>
      %lt3A = vector.broadcast %scan3A_8 : i32 to vector<16xi32>
      %lt3A_43 = arith.cmpi slt, %add3A_42, %lt3A : vector<16xi32>
      %add3A_44 = vector.broadcast %sc_fetch_and_add3A_11 : i32 to vector<16xi32>
      %add3A_45 = arith.addi %add3A_44, %add3A_42 : vector<16xi32>
      %lt3A_46 = arith.constant 256 : i32
      %lt3A_47 = vector.broadcast %lt3A_46 : i32 to vector<16xi32>
      %lt3A_48 = arith.cmpi slt, %add3A_45, %lt3A_47 : vector<16xi32>
      %and3A_49 = arith.andi %lt3A_43, %lt3A_48 : vector<16xi1>
      %add3A_50 = vector.broadcast %sc_fetch_and_add3A_11 : i32 to vector<16xi32>
      %add3A_51 = arith.addi %add3A_50, %add3A_42 : vector<16xi32>
      %jit3A_52 = arith.constant 508 : i32
      %broadcast_in_dim3A = vector.broadcast %jit3A_52 : i32 to vector<16xi32>
      %select_n3A_53 = arith.select %and3A_49, %add3A_51, %broadcast_in_dim3A : vector<16xi1>, vector<16xi32>
      %mul3A_54 = arith.constant 16 : i32
      %mul3A_55 = arith.muli %while3A_38, %mul3A_54 : i32
      "tpu.region"() ({
        %run_scoped3A = tpu.sem_alloc : memref<!tpu.dma_semaphore, #tpu.memory_space<semaphore_mem>>
        %dma_start3A_73 = tpu.memref_slice %arg8[%mul3A_55] : memref<272xi32, #tpu.memory_space<vmem>> -> memref<16xi32, #tpu.memory_space<vmem>>
        %dma_start3A_74 = arith.constant 0 : i32
        %dma_start3A_75 = tpu.memref_slice %arg5[%dma_start3A_74] : memref<512xi32, #tpu.memory_space<hbm>> -> memref<512xi32, #tpu.memory_space<hbm>>
        tpu.enqueue_indirect_dma source(%dma_start3A_73 : memref<16xi32, #tpu.memory_space<vmem>>) target(%dma_start3A_75 : memref<512xi32, #tpu.memory_space<hbm>>) offsets(%select_n3A_53 : vector<16xi32>) semaphore(%run_scoped3A : memref<!tpu.dma_semaphore, #tpu.memory_space<semaphore_mem>>)
        %dma_wait3A_76 = tpu.memref_slice %arg8[%mul3A_55] : memref<272xi32, #tpu.memory_space<vmem>> -> memref<16xi32, #tpu.memory_space<vmem>>
        %dma_wait3A_77 = arith.constant 0 : i32
        %dma_wait3A_78 = tpu.memref_slice %arg5[%dma_wait3A_77] : memref<512xi32, #tpu.memory_space<hbm>> -> memref<512xi32, #tpu.memory_space<hbm>>
        tpu.wait_indirect_dma semaphore(%run_scoped3A : memref<!tpu.dma_semaphore, #tpu.memory_space<semaphore_mem>>) src(%dma_wait3A_76 : memref<16xi32, #tpu.memory_space<vmem>>) dst(%dma_wait3A_78 : memref<512xi32, #tpu.memory_space<hbm>>)
        tpu.yield
      }) : () -> ()
      %mul3A_56 = arith.constant 16 : i32
      %mul3A_57 = arith.muli %while3A_38, %mul3A_56 : i32
      %get3A_58 = arith.index_cast %mul3A_57 : i32 to index
      %get3A_59 = tpu.vector_load %arg8[%get3A_58] {strides = array<i32>} : memref<272xi32, #tpu.memory_space<vmem>>, vector<16xi32>,
      %max3A = arith.constant 0 : i32
      %max3A_60 = vector.broadcast %max3A : i32 to vector<16xi32>
      %max3A_61 = arith.maxsi %get3A_59, %max3A_60 : vector<16xi32>
      %min3A = arith.constant 99999 : i32
      %min3A_62 = vector.broadcast %min3A : i32 to vector<16xi32>
      %min3A_63 = arith.minsi %max3A_61, %min3A_62 : vector<16xi32>
      %dma_start3A = arith.constant 0 : i32
      %dma_start3A_64 = arith.constant 0 : i32
      %dma_start3A_65 = tpu.memref_slice %arg4[%dma_start3A, %dma_start3A_64] : memref<100000x256xf32, #tpu.memory_space<hbm>> -> memref<100000x256xf32, #tpu.memory_space<hbm>>
      tpu.enqueue_indirect_dma source(%dma_start3A_65 : memref<100000x256xf32, #tpu.memory_space<hbm>>) target(%arg10 : memref<16x256xf32, #tpu.memory_space<vmem>>) offsets(%min3A_63 : vector<16xi32>) semaphore(%arg12 : memref<!tpu.dma_semaphore, #tpu.memory_space<semaphore_mem>>)
      %dma_wait3A = arith.constant 0 : i32
      %dma_wait3A_66 = arith.constant 0 : i32
      %dma_wait3A_67 = tpu.memref_slice %arg4[%dma_wait3A, %dma_wait3A_66] : memref<100000x256xf32, #tpu.memory_space<hbm>> -> memref<100000x256xf32, #tpu.memory_space<hbm>>
      tpu.wait_indirect_dma semaphore(%arg12 : memref<!tpu.dma_semaphore, #tpu.memory_space<semaphore_mem>>) src(%dma_wait3A_67 : memref<100000x256xf32, #tpu.memory_space<hbm>>) dst(%arg10 : memref<16x256xf32, #tpu.memory_space<vmem>>)
      %add3A_68 = vector.broadcast %sc_fetch_and_add3A_11 : i32 to vector<16xi32>
      %add3A_69 = arith.addi %add3A_68, %add3A_42 : vector<16xi32>
      %jit3A_70 = arith.constant 264 : i32
      %broadcast_in_dim3A_71 = vector.broadcast %jit3A_70 : i32 to vector<16xi32>
      %select_n3A_72 = arith.select %and3A_49, %add3A_69, %broadcast_in_dim3A_71 : vector<16xi1>, vector<16xi32>
      "tpu.region"() ({
        %run_scoped3A = tpu.sem_alloc : memref<!tpu.dma_semaphore, #tpu.memory_space<semaphore_mem>>
        %dma_start3A_73 = arith.constant 0 : i32
        %dma_start3A_74 = arith.constant 0 : i32
        %dma_start3A_75 = tpu.memref_slice %arg6[%dma_start3A_73, %dma_start3A_74] : memref<272x256xf32, #tpu.memory_space<hbm>> -> memref<272x256xf32, #tpu.memory_space<hbm>>
        tpu.enqueue_indirect_dma source(%arg10 : memref<16x256xf32, #tpu.memory_space<vmem>>) target(%dma_start3A_75 : memref<272x256xf32, #tpu.memory_space<hbm>>) offsets(%select_n3A_72 : vector<16xi32>) semaphore(%run_scoped3A : memref<!tpu.dma_semaphore, #tpu.memory_space<semaphore_mem>>)
        %dma_wait3A_76 = arith.constant 0 : i32
        %dma_wait3A_77 = arith.constant 0 : i32
        %dma_wait3A_78 = tpu.memref_slice %arg6[%dma_wait3A_76, %dma_wait3A_77] : memref<272x256xf32, #tpu.memory_space<hbm>> -> memref<272x256xf32, #tpu.memory_space<hbm>>
        tpu.wait_indirect_dma semaphore(%run_scoped3A : memref<!tpu.dma_semaphore, #tpu.memory_space<semaphore_mem>>) src(%arg10 : memref<16x256xf32, #tpu.memory_space<vmem>>) dst(%dma_wait3A_78 : memref<272x256xf32, #tpu.memory_space<hbm>>)
        tpu.yield
      }) : () -> ()
    }
    return
  }
}

module attributes {stable_mosaic.version = 14 : i64} {
  func.func @_thresh_body(%arg0: memref<784x128xf32, #tpu.memory_space<vmem>>, %arg1: memref<1x128xf32, #tpu.memory_space<vmem>>) attributes {dimension_semantics = [], scalar_prefetch = 0 : i64, scratch_operands = 0 : i64, tpu.core_type = #tpu.core_type<tc>} {
    %get3A = arith.constant 0 : index
    %get3A_0 = arith.constant 0 : index
    %get3A_1 = vector.load %arg0[%get3A, %get3A_0] : memref<784x128xf32, #tpu.memory_space<vmem>>, vector<784x128xf32>
    %bitcast_convert_type3A = tpu.bitcast %get3A_1 : vector<784x128xf32> -> vector<784x128xi32>
    %ge3A = arith.constant -2147483648 : i32
    %ge3A_2 = vector.broadcast %ge3A : i32 to vector<784x128xi32>
    %ge3A_3 = arith.cmpi uge, %bitcast_convert_type3A, %ge3A_2 : vector<784x128xi32>
    %jit3A = arith.constant -1 : i32
    %jit3A_4 = arith.constant -2147483648 : i32
    %broadcast_in_dim3A = vector.broadcast %jit3A : i32 to vector<784x128xi32>
    %broadcast_in_dim3A_5 = vector.broadcast %jit3A_4 : i32 to vector<784x128xi32>
    %select_n3A = arith.select %ge3A_3, %broadcast_in_dim3A, %broadcast_in_dim3A_5 : vector<784x128xi1>, vector<784x128xi32>
    %xor3A = arith.xori %bitcast_convert_type3A, %select_n3A : vector<784x128xi32>
    %iota3A = tpu.iota {dimensions = array<i32: 0>} : vector<784x128xi32>
    %iota3A_6 = tpu.iota {dimensions = array<i32: 1>} : vector<784x128xi32>
    %mul3A = arith.constant 128 : i32
    %mul3A_7 = vector.broadcast %mul3A : i32 to vector<784x128xi32>
    %mul3A_8 = arith.muli %iota3A, %mul3A_7 : vector<784x128xi32>
    %add3A = arith.addi %mul3A_8, %iota3A_6 : vector<784x128xi32>
    %lt3A = arith.constant 100000 : i32
    %lt3A_9 = vector.broadcast %lt3A : i32 to vector<784x128xi32>
    %lt3A_10 = arith.cmpi slt, %add3A, %lt3A_9 : vector<784x128xi32>
    %jit3A_11 = arith.constant 0 : i32
    %broadcast_in_dim3A_12 = vector.broadcast %jit3A_11 : i32 to vector<784x128xi32>
    %select_n3A_13 = arith.select %lt3A_10, %xor3A, %broadcast_in_dim3A_12 : vector<784x128xi1>, vector<784x128xi32>
    %scan3A = arith.constant 0 : i32
    %scan3A_14 = arith.constant 0 : i32
    %scan3A_15 = arith.constant 32 : i32
    %scan3A_16 = arith.addi %scan3A_14, %scan3A_15 : i32
    %scan3A_17 = arith.constant 1 : i32
    %scan3A_18 = scf.for %scan3A_30 = %scan3A_14 to %scan3A_16 step %scan3A_17 iter_args(%scan3A_31 = %scan3A) -> (i32)  : i32 {
      %sub3A = arith.constant 31 : i32
      %sub3A_32 = arith.subi %sub3A, %scan3A_30 : i32
      %shift_left3A = arith.constant 1 : i32
      %shift_left3A_33 = arith.shli %shift_left3A, %sub3A_32 : i32
      %or3A = arith.ori %scan3A_31, %shift_left3A_33 : i32
      %ge3A_34 = vector.broadcast %or3A : i32 to vector<784x128xi32>
      %ge3A_35 = arith.cmpi uge, %select_n3A_13, %ge3A_34 : vector<784x128xi32>
      %convert_element_type3A = arith.extui %ge3A_35 : vector<784x128xi1> to vector<784x128xi32>
      %reduce_sum3A = vector.shape_cast %convert_element_type3A : vector<784x128xi32> to vector<1x784x128xi32>
      %reduce_sum3A_36 = arith.constant dense<0> : vector<1xi32>
      %reduce_sum3A_37 = vector.multi_reduction <add>, %reduce_sum3A, %reduce_sum3A_36 [1, 2] : vector<1x784x128xi32> to vector<1xi32>
      %reduce_sum3A_38 = vector.shape_cast %reduce_sum3A_37 : vector<1xi32> to vector<1x1x1xi32>
      %reduce_sum3A_39 = vector.extract %reduce_sum3A_38[0, 0, 0] : i32 from vector<1x1x1xi32>
      %ge3A_40 = arith.constant 256 : i32
      %ge3A_41 = arith.cmpi sge, %reduce_sum3A_39, %ge3A_40 : i32
      %select_n3A_42 = arith.select %ge3A_41, %or3A, %scan3A_31 : i32
      scf.yield %select_n3A_42 : i32
    }
    %scan3A_19 = arith.constant 32 : i32
    %ge3A_20 = arith.constant -2147483648 : i32
    %ge3A_21 = arith.cmpi uge, %scan3A_18, %ge3A_20 : i32
    %xor3A_22 = arith.constant -2147483648 : i32
    %xor3A_23 = arith.xori %scan3A_18, %xor3A_22 : i32
    %not3A = arith.constant -1 : i32
    %not3A_24 = arith.xori %scan3A_18, %not3A : i32
    %select_n3A_25 = arith.select %ge3A_21, %xor3A_23, %not3A_24 : i32
    %bitcast_convert_type3A_26 = arith.bitcast %select_n3A_25 : i32 to f32
    %broadcast_in_dim3A_27 = vector.broadcast %bitcast_convert_type3A_26 : f32 to vector<1x128xf32>
    %swap3A = arith.constant 0 : index
    %swap3A_28 = arith.constant 0 : index
    %swap3A_29 = vector.load %arg1[%swap3A, %swap3A_28] : memref<1x128xf32, #tpu.memory_space<vmem>>, vector<1x128xf32>
    tpu.vector_store %arg1[%swap3A, %swap3A_28], %broadcast_in_dim3A_27 {strides = array<i32>} : memref<1x128xf32, #tpu.memory_space<vmem>>, vector<1x128xf32>,
    return
  }
}

module attributes {stable_mosaic.version = 14 : i64} {
  func.func @_score_copy_body(%arg0: i32, %arg1: memref<5000x256xf32, #tpu.memory_space<vmem>>, %arg2: memref<8x256xf32, #tpu.memory_space<vmem>>, %arg3: memref<1x1xf32, #tpu.memory_space<smem>>, %arg4: memref<5000x256xf32, #tpu.memory_space<vmem>>, %arg5: memref<5000x1xf32, #tpu.memory_space<vmem>>) attributes {dimension_semantics = [#tpu.dimension_semantics<arbitrary>], iteration_bounds = array<i64: 20>, scalar_prefetch = 0 : i64, scratch_operands = 0 : i64, tpu.core_type = #tpu.core_type<tc>, window_params = [{transform_indices = @transform_0, window_bounds = array<i64: 5000, 256>}, {pipeline_mode = #tpu.pipeline_mode<synchronous>, transform_indices = @transform_1, window_bounds = array<i64: 8, 256>}, {transform_indices = @transform_2, window_bounds = array<i64: 1, 1>}, {transform_indices = @transform_3, window_bounds = array<i64: 5000, 256>}, {transform_indices = @transform_4, window_bounds = array<i64: 5000, 1>}]} {
    %get3A = arith.constant 0 : index
    %get3A_0 = arith.constant 0 : index
    %get3A_1 = vector.load %arg1[%get3A, %get3A_0] : memref<5000x256xf32, #tpu.memory_space<vmem>>, vector<5000x256xf32>
    %swap3A = arith.constant 0 : index
    %swap3A_2 = arith.constant 0 : index
    %swap3A_3 = vector.load %arg4[%swap3A, %swap3A_2] : memref<5000x256xf32, #tpu.memory_space<vmem>>, vector<5000x256xf32>
    tpu.vector_store %arg4[%swap3A, %swap3A_2], %get3A_1 {strides = array<i32>} : memref<5000x256xf32, #tpu.memory_space<vmem>>, vector<5000x256xf32>,
    %get3A_4 = arith.constant 0 : index
    %get3A_5 = arith.constant 0 : index
    %get3A_6 = vector.load %arg2[%get3A_4, %get3A_5] : memref<8x256xf32, #tpu.memory_space<vmem>>, vector<8x256xf32>
    %convert_element_type3A = arith.truncf %get3A_1 : vector<5000x256xf32> to vector<5000x256xbf16>
    %convert_element_type3A_7 = arith.extf %convert_element_type3A : vector<5000x256xbf16> to vector<5000x256xf32>
    %sub3A = arith.subf %get3A_1, %convert_element_type3A_7 : vector<5000x256xf32>
    %convert_element_type3A_8 = arith.truncf %sub3A : vector<5000x256xf32> to vector<5000x256xbf16>
    %convert_element_type3A_9 = arith.truncf %get3A_6 : vector<8x256xf32> to vector<8x256xbf16>
    %convert_element_type3A_10 = arith.extf %convert_element_type3A_9 : vector<8x256xbf16> to vector<8x256xf32>
    %sub3A_11 = arith.subf %get3A_6, %convert_element_type3A_10 : vector<8x256xf32>
    %convert_element_type3A_12 = arith.truncf %sub3A_11 : vector<8x256xf32> to vector<8x256xbf16>
    %dot_general3A = arith.constant dense<0.000000e+00> : vector<5000x8xf32>
    %dot_general3A_13 = tpu.matmul %convert_element_type3A, %convert_element_type3A_9, %dot_general3A {dimension_numbers = #tpu.dot_dimension_numbers<[1], [1], [0], [0], [0, 0, 1, 0], [], []>, transpose_lhs_hint = false} : vector<5000x256xbf16>, vector<8x256xbf16>, vector<5000x8xf32> -> vector<5000x8xf32>
    %dot_general3A_14 = arith.constant dense<0.000000e+00> : vector<5000x8xf32>
    %dot_general3A_15 = tpu.matmul %convert_element_type3A, %convert_element_type3A_12, %dot_general3A_14 {dimension_numbers = #tpu.dot_dimension_numbers<[1], [1], [0], [0], [0, 0, 1, 0], [], []>, transpose_lhs_hint = false} : vector<5000x256xbf16>, vector<8x256xbf16>, vector<5000x8xf32> -> vector<5000x8xf32>
    %add3A = arith.addf %dot_general3A_13, %dot_general3A_15 : vector<5000x8xf32>
    %dot_general3A_16 = arith.constant dense<0.000000e+00> : vector<5000x8xf32>
    %dot_general3A_17 = tpu.matmul %convert_element_type3A_8, %convert_element_type3A_9, %dot_general3A_16 {dimension_numbers = #tpu.dot_dimension_numbers<[1], [1], [0], [0], [0, 0, 1, 0], [], []>, transpose_lhs_hint = false} : vector<5000x256xbf16>, vector<8x256xbf16>, vector<5000x8xf32> -> vector<5000x8xf32>
    %add3A_18 = arith.addf %add3A, %dot_general3A_17 : vector<5000x8xf32>
    %slice3A = vector.extract_strided_slice %add3A_18 {offsets = [0, 0], sizes = [5000, 1], strides = [1, 1]} : vector<5000x8xf32> to vector<5000x1xf32>
    %get3A_19 = arith.constant 0 : index
    %get3A_20 = arith.constant 0 : index
    %get3A_21 = memref.load %arg3[%get3A_19, %get3A_20] : memref<1x1xf32, #tpu.memory_space<smem>>
    %add3A_22 = vector.broadcast %get3A_21 : f32 to vector<5000x1xf32>
    %add3A_23 = arith.addf %slice3A, %add3A_22 : vector<5000x1xf32>
    %swap3A_24 = arith.constant 0 : index
    %swap3A_25 = arith.constant 0 : index
    %swap3A_26 = vector.load %arg5[%swap3A_24, %swap3A_25] : memref<5000x1xf32, #tpu.memory_space<vmem>>, vector<5000x1xf32>
    tpu.vector_store %arg5[%swap3A_24, %swap3A_25], %add3A_23 {strides = array<i32>} : memref<5000x1xf32, #tpu.memory_space<vmem>>, vector<5000x1xf32>,
    return
  }
  func.func @transform_0(%arg0: i32) -> (i32, i32) {
    %c0_i32 = arith.constant 0 : i32
    %c0_i32_0 = arith.constant 0 : i32
    return %arg0, %c0_i32 : i32, i32
  }
  func.func @transform_1(%arg0: i32) -> (i32, i32) {
    %c0_i32 = arith.constant 0 : i32
    %c0_i32_0 = arith.constant 0 : i32
    %c0_i32_1 = arith.constant 0 : i32
    return %c0_i32, %c0_i32_0 : i32, i32
  }
  func.func @transform_2(%arg0: i32) -> (i32, i32) {
    %c0_i32 = arith.constant 0 : i32
    %c0_i32_0 = arith.constant 0 : i32
    %c0_i32_1 = arith.constant 0 : i32
    return %c0_i32, %c0_i32_0 : i32, i32
  }
  func.func @transform_3(%arg0: i32) -> (i32, i32) {
    %c0_i32 = arith.constant 0 : i32
    %c0_i32_0 = arith.constant 0 : i32
    return %arg0, %c0_i32 : i32, i32
  }
  func.func @transform_4(%arg0: i32) -> (i32, i32) {
    %c0_i32 = arith.constant 0 : i32
    %c0_i32_0 = arith.constant 0 : i32
    return %arg0, %c0_i32 : i32, i32
  }
}

module attributes {stable_mosaic.version = 14 : i64} {
  func.func @_attn_scatter_body(%arg0: memref<256xi32, #tpu.memory_space<smem>>, %arg1: memref<256x256xf32, #tpu.memory_space<vmem>>, %arg2: memref<256x256xf32, #tpu.memory_space<vmem>>, %arg3: memref<1x256xf32, #tpu.memory_space<vmem>>, %arg4: memref<256x256xf32, #tpu.memory_space<vmem>>, %arg5: memref<1x256xf32, #tpu.memory_space<vmem>>, %arg6: memref<256x256xf32, #tpu.memory_space<vmem>>, %arg7: memref<1x256xf32, #tpu.memory_space<vmem>>, %arg8: memref<256x512xf32, #tpu.memory_space<vmem>>, %arg9: memref<1x256xf32, #tpu.memory_space<vmem>>, %arg10: memref<100000x256xf32, #tpu.memory_space<any>>, %arg11: memref<100000x256xf32, #tpu.memory_space<any>>, %arg12: memref<256x256xf32, #tpu.memory_space<vmem>>, %arg13: memref<!tpu.dma_semaphore, #tpu.memory_space<semaphore_mem>>) attributes {dimension_semantics = [], scalar_prefetch = 0 : i64, scratch_operands = 2 : i64, tpu.core_type = #tpu.core_type<tc>} {
    %get3A = arith.constant 0 : index
    %get3A_0 = arith.constant 0 : index
    %get3A_1 = vector.load %arg1[%get3A, %get3A_0] : memref<256x256xf32, #tpu.memory_space<vmem>>, vector<256x256xf32>
    %get3A_2 = arith.constant 0 : index
    %get3A_3 = arith.constant 0 : index
    %get3A_4 = vector.load %arg2[%get3A_2, %get3A_3] : memref<256x256xf32, #tpu.memory_space<vmem>>, vector<256x256xf32>
    %dot_general3A = arith.constant dense<0.000000e+00> : vector<256x256xf32>
    %dot_general3A_5 = tpu.matmul %get3A_1, %get3A_4, %dot_general3A {dimension_numbers = #tpu.dot_dimension_numbers<[1], [1], [0], [0], [0, 0, 1, 0], [], []>, transpose_lhs_hint = false} : vector<256x256xf32>, vector<256x256xf32>, vector<256x256xf32> -> vector<256x256xf32>
    %get3A_6 = arith.constant 0 : index
    %get3A_7 = arith.constant 0 : index
    %get3A_8 = vector.load %arg3[%get3A_6, %get3A_7] : memref<1x256xf32, #tpu.memory_space<vmem>>, vector<1x256xf32>
    %add3A = vector.broadcast %get3A_8 : vector<1x256xf32> to vector<256x256xf32>
    %add3A_9 = arith.addf %dot_general3A_5, %add3A : vector<256x256xf32>
    %get3A_10 = arith.constant 0 : index
    %get3A_11 = arith.constant 0 : index
    %get3A_12 = vector.load %arg4[%get3A_10, %get3A_11] : memref<256x256xf32, #tpu.memory_space<vmem>>, vector<256x256xf32>
    %dot_general3A_13 = arith.constant dense<0.000000e+00> : vector<256x256xf32>
    %dot_general3A_14 = tpu.matmul %get3A_1, %get3A_12, %dot_general3A_13 {dimension_numbers = #tpu.dot_dimension_numbers<[1], [1], [0], [0], [0, 0, 1, 0], [], []>, transpose_lhs_hint = false} : vector<256x256xf32>, vector<256x256xf32>, vector<256x256xf32> -> vector<256x256xf32>
    %get3A_15 = arith.constant 0 : index
    %get3A_16 = arith.constant 0 : index
    %get3A_17 = vector.load %arg5[%get3A_15, %get3A_16] : memref<1x256xf32, #tpu.memory_space<vmem>>, vector<1x256xf32>
    %add3A_18 = vector.broadcast %get3A_17 : vector<1x256xf32> to vector<256x256xf32>
    %add3A_19 = arith.addf %dot_general3A_14, %add3A_18 : vector<256x256xf32>
    %get3A_20 = arith.constant 0 : index
    %get3A_21 = arith.constant 0 : index
    %get3A_22 = vector.load %arg6[%get3A_20, %get3A_21] : memref<256x256xf32, #tpu.memory_space<vmem>>, vector<256x256xf32>
    %dot_general3A_23 = arith.constant dense<0.000000e+00> : vector<256x256xf32>
    %dot_general3A_24 = tpu.matmul %get3A_1, %get3A_22, %dot_general3A_23 {dimension_numbers = #tpu.dot_dimension_numbers<[1], [1], [0], [0], [0, 0, 1, 0], [], []>, transpose_lhs_hint = false} : vector<256x256xf32>, vector<256x256xf32>, vector<256x256xf32> -> vector<256x256xf32>
    %get3A_25 = arith.constant 0 : index
    %get3A_26 = arith.constant 0 : index
    %get3A_27 = vector.load %arg7[%get3A_25, %get3A_26] : memref<1x256xf32, #tpu.memory_space<vmem>>, vector<1x256xf32>
    %add3A_28 = vector.broadcast %get3A_27 : vector<1x256xf32> to vector<256x256xf32>
    %add3A_29 = arith.addf %dot_general3A_24, %add3A_28 : vector<256x256xf32>
    %slice3A = vector.extract_strided_slice %add3A_9 {offsets = [0, 0], sizes = [256, 32], strides = [1, 1]} : vector<256x256xf32> to vector<256x32xf32>
    %slice3A_30 = vector.extract_strided_slice %add3A_19 {offsets = [0, 0], sizes = [256, 32], strides = [1, 1]} : vector<256x256xf32> to vector<256x32xf32>
    %slice3A_31 = vector.extract_strided_slice %add3A_29 {offsets = [0, 0], sizes = [256, 32], strides = [1, 1]} : vector<256x256xf32> to vector<256x32xf32>
    %dot_general3A_32 = arith.constant dense<0.000000e+00> : vector<256x256xf32>
    %dot_general3A_33 = tpu.matmul %slice3A, %slice3A_30, %dot_general3A_32 {dimension_numbers = #tpu.dot_dimension_numbers<[1], [1], [0], [0], [0, 0, 1, 0], [], []>, transpose_lhs_hint = false} : vector<256x32xf32>, vector<256x32xf32>, vector<256x256xf32> -> vector<256x256xf32>
    %mul3A = arith.constant 0.176776692 : f32
    %mul3A_34 = vector.broadcast %mul3A : f32 to vector<256x256xf32>
    %mul3A_35 = arith.mulf %dot_general3A_33, %mul3A_34 : vector<256x256xf32>
    %mul3A_36 = arith.mulf %slice3A, %slice3A : vector<256x32xf32>
    %reduce_sum3A = arith.constant dense<0.000000e+00> : vector<256xf32>
    %reduce_sum3A_37 = vector.multi_reduction <add>, %mul3A_36, %reduce_sum3A [1] : vector<256x32xf32> to vector<256xf32>
    %broadcast_in_dim3A = vector.shape_cast %reduce_sum3A_37 : vector<256xf32> to vector<256x1xf32>
    %sqrt3A = math.sqrt %broadcast_in_dim3A : vector<256x1xf32>
    %add3A_38 = arith.constant 9.99999997E-7 : f32
    %add3A_39 = vector.broadcast %add3A_38 : f32 to vector<256x1xf32>
    %add3A_40 = arith.addf %sqrt3A, %add3A_39 : vector<256x1xf32>
    %div3A = vector.broadcast %add3A_40 : vector<256x1xf32> to vector<256x32xf32>
    %div3A_41 = arith.divf %slice3A, %div3A : vector<256x32xf32>
    %mul3A_42 = arith.mulf %slice3A_30, %slice3A_30 : vector<256x32xf32>
    %reduce_sum3A_43 = arith.constant dense<0.000000e+00> : vector<256xf32>
    %reduce_sum3A_44 = vector.multi_reduction <add>, %mul3A_42, %reduce_sum3A_43 [1] : vector<256x32xf32> to vector<256xf32>
    %broadcast_in_dim3A_45 = vector.shape_cast %reduce_sum3A_44 : vector<256xf32> to vector<256x1xf32>
    %sqrt3A_46 = math.sqrt %broadcast_in_dim3A_45 : vector<256x1xf32>
    %add3A_47 = arith.constant 9.99999997E-7 : f32
    %add3A_48 = vector.broadcast %add3A_47 : f32 to vector<256x1xf32>
    %add3A_49 = arith.addf %sqrt3A_46, %add3A_48 : vector<256x1xf32>
    %div3A_50 = vector.broadcast %add3A_49 : vector<256x1xf32> to vector<256x32xf32>
    %div3A_51 = arith.divf %slice3A_30, %div3A_50 : vector<256x32xf32>
    %dot_general3A_52 = arith.constant dense<0.000000e+00> : vector<256x256xf32>
    %dot_general3A_53 = tpu.matmul %div3A_41, %div3A_51, %dot_general3A_52 {dimension_numbers = #tpu.dot_dimension_numbers<[1], [1], [0], [0], [0, 0, 1, 0], [], []>, transpose_lhs_hint = false} : vector<256x32xf32>, vector<256x32xf32>, vector<256x256xf32> -> vector<256x256xf32>
    %gt3A = arith.constant 0.899999976 : f32
    %gt3A_54 = vector.broadcast %gt3A : f32 to vector<256x256xf32>
    %gt3A_55 = arith.cmpf ogt, %dot_general3A_53, %gt3A_54 : vector<256x256xf32>
    %jit3A = arith.constant -1.000000e+04 : f32
    %broadcast_in_dim3A_56 = vector.broadcast %jit3A : f32 to vector<256x256xf32>
    %select_n3A = arith.select %gt3A_55, %mul3A_35, %broadcast_in_dim3A_56 : vector<256x256xi1>, vector<256x256xf32>
    %reduce_max3A = arith.constant dense<0xFF800000> : vector<256xf32>
    %reduce_max3A_57 = vector.multi_reduction <maximumf>, %select_n3A, %reduce_max3A [1] : vector<256x256xf32> to vector<256xf32>
    %broadcast_in_dim3A_58 = vector.shape_cast %reduce_max3A_57 : vector<256xf32> to vector<256x1xf32>
    %sub3A = vector.broadcast %broadcast_in_dim3A_58 : vector<256x1xf32> to vector<256x256xf32>
    %sub3A_59 = arith.subf %select_n3A, %sub3A : vector<256x256xf32>
    %exp3A = math.exp %sub3A_59 : vector<256x256xf32>
    %reduce_sum3A_60 = arith.constant dense<0.000000e+00> : vector<256xf32>
    %reduce_sum3A_61 = vector.multi_reduction <add>, %exp3A, %reduce_sum3A_60 [1] : vector<256x256xf32> to vector<256xf32>
    %broadcast_in_dim3A_62 = vector.shape_cast %reduce_sum3A_61 : vector<256xf32> to vector<256x1xf32>
    %div3A_63 = vector.broadcast %broadcast_in_dim3A_62 : vector<256x1xf32> to vector<256x256xf32>
    %div3A_64 = arith.divf %exp3A, %div3A_63 : vector<256x256xf32>
    %reduce_or3A = arith.constant 1.000000e+00 : f32
    %reduce_or3A_65 = arith.constant 0.000000e+00 : f32
    %reduce_or3A_66 = vector.broadcast %reduce_or3A : f32 to vector<256x256xf32>
    %reduce_or3A_67 = vector.broadcast %reduce_or3A_65 : f32 to vector<256x256xf32>
    %reduce_or3A_68 = arith.select %gt3A_55, %reduce_or3A_66, %reduce_or3A_67 : vector<256x256xi1>, vector<256x256xf32>
    %reduce_or3A_69 = arith.constant dense<0xFF800000> : vector<256xf32>
    %reduce_or3A_70 = vector.multi_reduction <maximumf>, %reduce_or3A_68, %reduce_or3A_69 [1] : vector<256x256xf32> to vector<256xf32>
    %reduce_or3A_71 = arith.constant 0.000000e+00 : f32
    %reduce_or3A_72 = vector.broadcast %reduce_or3A_71 : f32 to vector<256xf32>
    %reduce_or3A_73 = arith.cmpf ogt, %reduce_or3A_70, %reduce_or3A_72 : vector<256xf32>
    %broadcast_in_dim3A_74 = vector.shape_cast %reduce_or3A_73 : vector<256xi1> to vector<256x1xi1>
    %jit3A_75 = arith.constant 0.000000e+00 : f32
    %broadcast_in_dim3A_76 = vector.shape_cast %broadcast_in_dim3A_74 : vector<256x1xi1> to vector<256x1xi1>
    %broadcast_in_dim3A_77 = vector.broadcast %broadcast_in_dim3A_76 : vector<256x1xi1> to vector<256x256xi1>
    %broadcast_in_dim3A_78 = vector.broadcast %jit3A_75 : f32 to vector<256x256xf32>
    %select_n3A_79 = arith.select %broadcast_in_dim3A_77, %div3A_64, %broadcast_in_dim3A_78 : vector<256x256xi1>, vector<256x256xf32>
    %dot_general3A_80 = arith.constant dense<0.000000e+00> : vector<256x32xf32>
    %dot_general3A_81 = tpu.matmul %select_n3A_79, %slice3A_31, %dot_general3A_80 {dimension_numbers = #tpu.dot_dimension_numbers<[1], [0], [0], [1], [0, 0, 1, 1], [], []>, transpose_lhs_hint = false} : vector<256x256xf32>, vector<256x32xf32>, vector<256x32xf32> -> vector<256x32xf32>
    %slice3A_82 = vector.extract_strided_slice %add3A_9 {offsets = [0, 32], sizes = [256, 32], strides = [1, 1]} : vector<256x256xf32> to vector<256x32xf32>
    %slice3A_83 = vector.extract_strided_slice %add3A_19 {offsets = [0, 32], sizes = [256, 32], strides = [1, 1]} : vector<256x256xf32> to vector<256x32xf32>
    %slice3A_84 = vector.extract_strided_slice %add3A_29 {offsets = [0, 32], sizes = [256, 32], strides = [1, 1]} : vector<256x256xf32> to vector<256x32xf32>
    %dot_general3A_85 = arith.constant dense<0.000000e+00> : vector<256x256xf32>
    %dot_general3A_86 = tpu.matmul %slice3A_82, %slice3A_83, %dot_general3A_85 {dimension_numbers = #tpu.dot_dimension_numbers<[1], [1], [0], [0], [0, 0, 1, 0], [], []>, transpose_lhs_hint = false} : vector<256x32xf32>, vector<256x32xf32>, vector<256x256xf32> -> vector<256x256xf32>
    %mul3A_87 = arith.constant 0.176776692 : f32
    %mul3A_88 = vector.broadcast %mul3A_87 : f32 to vector<256x256xf32>
    %mul3A_89 = arith.mulf %dot_general3A_86, %mul3A_88 : vector<256x256xf32>
    %mul3A_90 = arith.mulf %slice3A_82, %slice3A_82 : vector<256x32xf32>
    %reduce_sum3A_91 = arith.constant dense<0.000000e+00> : vector<256xf32>
    %reduce_sum3A_92 = vector.multi_reduction <add>, %mul3A_90, %reduce_sum3A_91 [1] : vector<256x32xf32> to vector<256xf32>
    %broadcast_in_dim3A_93 = vector.shape_cast %reduce_sum3A_92 : vector<256xf32> to vector<256x1xf32>
    %sqrt3A_94 = math.sqrt %broadcast_in_dim3A_93 : vector<256x1xf32>
    %add3A_95 = arith.constant 9.99999997E-7 : f32
    %add3A_96 = vector.broadcast %add3A_95 : f32 to vector<256x1xf32>
    %add3A_97 = arith.addf %sqrt3A_94, %add3A_96 : vector<256x1xf32>
    %div3A_98 = vector.broadcast %add3A_97 : vector<256x1xf32> to vector<256x32xf32>
    %div3A_99 = arith.divf %slice3A_82, %div3A_98 : vector<256x32xf32>
    %mul3A_100 = arith.mulf %slice3A_83, %slice3A_83 : vector<256x32xf32>
    %reduce_sum3A_101 = arith.constant dense<0.000000e+00> : vector<256xf32>
    %reduce_sum3A_102 = vector.multi_reduction <add>, %mul3A_100, %reduce_sum3A_101 [1] : vector<256x32xf32> to vector<256xf32>
    %broadcast_in_dim3A_103 = vector.shape_cast %reduce_sum3A_102 : vector<256xf32> to vector<256x1xf32>
    %sqrt3A_104 = math.sqrt %broadcast_in_dim3A_103 : vector<256x1xf32>
    %add3A_105 = arith.constant 9.99999997E-7 : f32
    %add3A_106 = vector.broadcast %add3A_105 : f32 to vector<256x1xf32>
    %add3A_107 = arith.addf %sqrt3A_104, %add3A_106 : vector<256x1xf32>
    %div3A_108 = vector.broadcast %add3A_107 : vector<256x1xf32> to vector<256x32xf32>
    %div3A_109 = arith.divf %slice3A_83, %div3A_108 : vector<256x32xf32>
    %dot_general3A_110 = arith.constant dense<0.000000e+00> : vector<256x256xf32>
    %dot_general3A_111 = tpu.matmul %div3A_99, %div3A_109, %dot_general3A_110 {dimension_numbers = #tpu.dot_dimension_numbers<[1], [1], [0], [0], [0, 0, 1, 0], [], []>, transpose_lhs_hint = false} : vector<256x32xf32>, vector<256x32xf32>, vector<256x256xf32> -> vector<256x256xf32>
    %gt3A_112 = arith.constant 0.899999976 : f32
    %gt3A_113 = vector.broadcast %gt3A_112 : f32 to vector<256x256xf32>
    %gt3A_114 = arith.cmpf ogt, %dot_general3A_111, %gt3A_113 : vector<256x256xf32>
    %jit3A_115 = arith.constant -1.000000e+04 : f32
    %broadcast_in_dim3A_116 = vector.broadcast %jit3A_115 : f32 to vector<256x256xf32>
    %select_n3A_117 = arith.select %gt3A_114, %mul3A_89, %broadcast_in_dim3A_116 : vector<256x256xi1>, vector<256x256xf32>
    %reduce_max3A_118 = arith.constant dense<0xFF800000> : vector<256xf32>
    %reduce_max3A_119 = vector.multi_reduction <maximumf>, %select_n3A_117, %reduce_max3A_118 [1] : vector<256x256xf32> to vector<256xf32>
    %broadcast_in_dim3A_120 = vector.shape_cast %reduce_max3A_119 : vector<256xf32> to vector<256x1xf32>
    %sub3A_121 = vector.broadcast %broadcast_in_dim3A_120 : vector<256x1xf32> to vector<256x256xf32>
    %sub3A_122 = arith.subf %select_n3A_117, %sub3A_121 : vector<256x256xf32>
    %exp3A_123 = math.exp %sub3A_122 : vector<256x256xf32>
    %reduce_sum3A_124 = arith.constant dense<0.000000e+00> : vector<256xf32>
    %reduce_sum3A_125 = vector.multi_reduction <add>, %exp3A_123, %reduce_sum3A_124 [1] : vector<256x256xf32> to vector<256xf32>
    %broadcast_in_dim3A_126 = vector.shape_cast %reduce_sum3A_125 : vector<256xf32> to vector<256x1xf32>
    %div3A_127 = vector.broadcast %broadcast_in_dim3A_126 : vector<256x1xf32> to vector<256x256xf32>
    %div3A_128 = arith.divf %exp3A_123, %div3A_127 : vector<256x256xf32>
    %reduce_or3A_129 = arith.constant 1.000000e+00 : f32
    %reduce_or3A_130 = arith.constant 0.000000e+00 : f32
    %reduce_or3A_131 = vector.broadcast %reduce_or3A_129 : f32 to vector<256x256xf32>
    %reduce_or3A_132 = vector.broadcast %reduce_or3A_130 : f32 to vector<256x256xf32>
    %reduce_or3A_133 = arith.select %gt3A_114, %reduce_or3A_131, %reduce_or3A_132 : vector<256x256xi1>, vector<256x256xf32>
    %reduce_or3A_134 = arith.constant dense<0xFF800000> : vector<256xf32>
    %reduce_or3A_135 = vector.multi_reduction <maximumf>, %reduce_or3A_133, %reduce_or3A_134 [1] : vector<256x256xf32> to vector<256xf32>
    %reduce_or3A_136 = arith.constant 0.000000e+00 : f32
    %reduce_or3A_137 = vector.broadcast %reduce_or3A_136 : f32 to vector<256xf32>
    %reduce_or3A_138 = arith.cmpf ogt, %reduce_or3A_135, %reduce_or3A_137 : vector<256xf32>
    %broadcast_in_dim3A_139 = vector.shape_cast %reduce_or3A_138 : vector<256xi1> to vector<256x1xi1>
    %jit3A_140 = arith.constant 0.000000e+00 : f32
    %broadcast_in_dim3A_141 = vector.shape_cast %broadcast_in_dim3A_139 : vector<256x1xi1> to vector<256x1xi1>
    %broadcast_in_dim3A_142 = vector.broadcast %broadcast_in_dim3A_141 : vector<256x1xi1> to vector<256x256xi1>
    %broadcast_in_dim3A_143 = vector.broadcast %jit3A_140 : f32 to vector<256x256xf32>
    %select_n3A_144 = arith.select %broadcast_in_dim3A_142, %div3A_128, %broadcast_in_dim3A_143 : vector<256x256xi1>, vector<256x256xf32>
    %dot_general3A_145 = arith.constant dense<0.000000e+00> : vector<256x32xf32>
    %dot_general3A_146 = tpu.matmul %select_n3A_144, %slice3A_84, %dot_general3A_145 {dimension_numbers = #tpu.dot_dimension_numbers<[1], [0], [0], [1], [0, 0, 1, 1], [], []>, transpose_lhs_hint = false} : vector<256x256xf32>, vector<256x32xf32>, vector<256x32xf32> -> vector<256x32xf32>
    %slice3A_147 = vector.extract_strided_slice %add3A_9 {offsets = [0, 64], sizes = [256, 32], strides = [1, 1]} : vector<256x256xf32> to vector<256x32xf32>
    %slice3A_148 = vector.extract_strided_slice %add3A_19 {offsets = [0, 64], sizes = [256, 32], strides = [1, 1]} : vector<256x256xf32> to vector<256x32xf32>
    %slice3A_149 = vector.extract_strided_slice %add3A_29 {offsets = [0, 64], sizes = [256, 32], strides = [1, 1]} : vector<256x256xf32> to vector<256x32xf32>
    %dot_general3A_150 = arith.constant dense<0.000000e+00> : vector<256x256xf32>
    %dot_general3A_151 = tpu.matmul %slice3A_147, %slice3A_148, %dot_general3A_150 {dimension_numbers = #tpu.dot_dimension_numbers<[1], [1], [0], [0], [0, 0, 1, 0], [], []>, transpose_lhs_hint = false} : vector<256x32xf32>, vector<256x32xf32>, vector<256x256xf32> -> vector<256x256xf32>
    %mul3A_152 = arith.constant 0.176776692 : f32
    %mul3A_153 = vector.broadcast %mul3A_152 : f32 to vector<256x256xf32>
    %mul3A_154 = arith.mulf %dot_general3A_151, %mul3A_153 : vector<256x256xf32>
    %mul3A_155 = arith.mulf %slice3A_147, %slice3A_147 : vector<256x32xf32>
    %reduce_sum3A_156 = arith.constant dense<0.000000e+00> : vector<256xf32>
    %reduce_sum3A_157 = vector.multi_reduction <add>, %mul3A_155, %reduce_sum3A_156 [1] : vector<256x32xf32> to vector<256xf32>
    %broadcast_in_dim3A_158 = vector.shape_cast %reduce_sum3A_157 : vector<256xf32> to vector<256x1xf32>
    %sqrt3A_159 = math.sqrt %broadcast_in_dim3A_158 : vector<256x1xf32>
    %add3A_160 = arith.constant 9.99999997E-7 : f32
    %add3A_161 = vector.broadcast %add3A_160 : f32 to vector<256x1xf32>
    %add3A_162 = arith.addf %sqrt3A_159, %add3A_161 : vector<256x1xf32>
    %div3A_163 = vector.broadcast %add3A_162 : vector<256x1xf32> to vector<256x32xf32>
    %div3A_164 = arith.divf %slice3A_147, %div3A_163 : vector<256x32xf32>
    %mul3A_165 = arith.mulf %slice3A_148, %slice3A_148 : vector<256x32xf32>
    %reduce_sum3A_166 = arith.constant dense<0.000000e+00> : vector<256xf32>
    %reduce_sum3A_167 = vector.multi_reduction <add>, %mul3A_165, %reduce_sum3A_166 [1] : vector<256x32xf32> to vector<256xf32>
    %broadcast_in_dim3A_168 = vector.shape_cast %reduce_sum3A_167 : vector<256xf32> to vector<256x1xf32>
    %sqrt3A_169 = math.sqrt %broadcast_in_dim3A_168 : vector<256x1xf32>
    %add3A_170 = arith.constant 9.99999997E-7 : f32
    %add3A_171 = vector.broadcast %add3A_170 : f32 to vector<256x1xf32>
    %add3A_172 = arith.addf %sqrt3A_169, %add3A_171 : vector<256x1xf32>
    %div3A_173 = vector.broadcast %add3A_172 : vector<256x1xf32> to vector<256x32xf32>
    %div3A_174 = arith.divf %slice3A_148, %div3A_173 : vector<256x32xf32>
    %dot_general3A_175 = arith.constant dense<0.000000e+00> : vector<256x256xf32>
    %dot_general3A_176 = tpu.matmul %div3A_164, %div3A_174, %dot_general3A_175 {dimension_numbers = #tpu.dot_dimension_numbers<[1], [1], [0], [0], [0, 0, 1, 0], [], []>, transpose_lhs_hint = false} : vector<256x32xf32>, vector<256x32xf32>, vector<256x256xf32> -> vector<256x256xf32>
    %gt3A_177 = arith.constant 0.899999976 : f32
    %gt3A_178 = vector.broadcast %gt3A_177 : f32 to vector<256x256xf32>
    %gt3A_179 = arith.cmpf ogt, %dot_general3A_176, %gt3A_178 : vector<256x256xf32>
    %jit3A_180 = arith.constant -1.000000e+04 : f32
    %broadcast_in_dim3A_181 = vector.broadcast %jit3A_180 : f32 to vector<256x256xf32>
    %select_n3A_182 = arith.select %gt3A_179, %mul3A_154, %broadcast_in_dim3A_181 : vector<256x256xi1>, vector<256x256xf32>
    %reduce_max3A_183 = arith.constant dense<0xFF800000> : vector<256xf32>
    %reduce_max3A_184 = vector.multi_reduction <maximumf>, %select_n3A_182, %reduce_max3A_183 [1] : vector<256x256xf32> to vector<256xf32>
    %broadcast_in_dim3A_185 = vector.shape_cast %reduce_max3A_184 : vector<256xf32> to vector<256x1xf32>
    %sub3A_186 = vector.broadcast %broadcast_in_dim3A_185 : vector<256x1xf32> to vector<256x256xf32>
    %sub3A_187 = arith.subf %select_n3A_182, %sub3A_186 : vector<256x256xf32>
    %exp3A_188 = math.exp %sub3A_187 : vector<256x256xf32>
    %reduce_sum3A_189 = arith.constant dense<0.000000e+00> : vector<256xf32>
    %reduce_sum3A_190 = vector.multi_reduction <add>, %exp3A_188, %reduce_sum3A_189 [1] : vector<256x256xf32> to vector<256xf32>
    %broadcast_in_dim3A_191 = vector.shape_cast %reduce_sum3A_190 : vector<256xf32> to vector<256x1xf32>
    %div3A_192 = vector.broadcast %broadcast_in_dim3A_191 : vector<256x1xf32> to vector<256x256xf32>
    %div3A_193 = arith.divf %exp3A_188, %div3A_192 : vector<256x256xf32>
    %reduce_or3A_194 = arith.constant 1.000000e+00 : f32
    %reduce_or3A_195 = arith.constant 0.000000e+00 : f32
    %reduce_or3A_196 = vector.broadcast %reduce_or3A_194 : f32 to vector<256x256xf32>
    %reduce_or3A_197 = vector.broadcast %reduce_or3A_195 : f32 to vector<256x256xf32>
    %reduce_or3A_198 = arith.select %gt3A_179, %reduce_or3A_196, %reduce_or3A_197 : vector<256x256xi1>, vector<256x256xf32>
    %reduce_or3A_199 = arith.constant dense<0xFF800000> : vector<256xf32>
    %reduce_or3A_200 = vector.multi_reduction <maximumf>, %reduce_or3A_198, %reduce_or3A_199 [1] : vector<256x256xf32> to vector<256xf32>
    %reduce_or3A_201 = arith.constant 0.000000e+00 : f32
    %reduce_or3A_202 = vector.broadcast %reduce_or3A_201 : f32 to vector<256xf32>
    %reduce_or3A_203 = arith.cmpf ogt, %reduce_or3A_200, %reduce_or3A_202 : vector<256xf32>
    %broadcast_in_dim3A_204 = vector.shape_cast %reduce_or3A_203 : vector<256xi1> to vector<256x1xi1>
    %jit3A_205 = arith.constant 0.000000e+00 : f32
    %broadcast_in_dim3A_206 = vector.shape_cast %broadcast_in_dim3A_204 : vector<256x1xi1> to vector<256x1xi1>
    %broadcast_in_dim3A_207 = vector.broadcast %broadcast_in_dim3A_206 : vector<256x1xi1> to vector<256x256xi1>
    %broadcast_in_dim3A_208 = vector.broadcast %jit3A_205 : f32 to vector<256x256xf32>
    %select_n3A_209 = arith.select %broadcast_in_dim3A_207, %div3A_193, %broadcast_in_dim3A_208 : vector<256x256xi1>, vector<256x256xf32>
    %dot_general3A_210 = arith.constant dense<0.000000e+00> : vector<256x32xf32>
    %dot_general3A_211 = tpu.matmul %select_n3A_209, %slice3A_149, %dot_general3A_210 {dimension_numbers = #tpu.dot_dimension_numbers<[1], [0], [0], [1], [0, 0, 1, 1], [], []>, transpose_lhs_hint = false} : vector<256x256xf32>, vector<256x32xf32>, vector<256x32xf32> -> vector<256x32xf32>
    %slice3A_212 = vector.extract_strided_slice %add3A_9 {offsets = [0, 96], sizes = [256, 32], strides = [1, 1]} : vector<256x256xf32> to vector<256x32xf32>
    %slice3A_213 = vector.extract_strided_slice %add3A_19 {offsets = [0, 96], sizes = [256, 32], strides = [1, 1]} : vector<256x256xf32> to vector<256x32xf32>
    %slice3A_214 = vector.extract_strided_slice %add3A_29 {offsets = [0, 96], sizes = [256, 32], strides = [1, 1]} : vector<256x256xf32> to vector<256x32xf32>
    %dot_general3A_215 = arith.constant dense<0.000000e+00> : vector<256x256xf32>
    %dot_general3A_216 = tpu.matmul %slice3A_212, %slice3A_213, %dot_general3A_215 {dimension_numbers = #tpu.dot_dimension_numbers<[1], [1], [0], [0], [0, 0, 1, 0], [], []>, transpose_lhs_hint = false} : vector<256x32xf32>, vector<256x32xf32>, vector<256x256xf32> -> vector<256x256xf32>
    %mul3A_217 = arith.constant 0.176776692 : f32
    %mul3A_218 = vector.broadcast %mul3A_217 : f32 to vector<256x256xf32>
    %mul3A_219 = arith.mulf %dot_general3A_216, %mul3A_218 : vector<256x256xf32>
    %mul3A_220 = arith.mulf %slice3A_212, %slice3A_212 : vector<256x32xf32>
    %reduce_sum3A_221 = arith.constant dense<0.000000e+00> : vector<256xf32>
    %reduce_sum3A_222 = vector.multi_reduction <add>, %mul3A_220, %reduce_sum3A_221 [1] : vector<256x32xf32> to vector<256xf32>
    %broadcast_in_dim3A_223 = vector.shape_cast %reduce_sum3A_222 : vector<256xf32> to vector<256x1xf32>
    %sqrt3A_224 = math.sqrt %broadcast_in_dim3A_223 : vector<256x1xf32>
    %add3A_225 = arith.constant 9.99999997E-7 : f32
    %add3A_226 = vector.broadcast %add3A_225 : f32 to vector<256x1xf32>
    %add3A_227 = arith.addf %sqrt3A_224, %add3A_226 : vector<256x1xf32>
    %div3A_228 = vector.broadcast %add3A_227 : vector<256x1xf32> to vector<256x32xf32>
    %div3A_229 = arith.divf %slice3A_212, %div3A_228 : vector<256x32xf32>
    %mul3A_230 = arith.mulf %slice3A_213, %slice3A_213 : vector<256x32xf32>
    %reduce_sum3A_231 = arith.constant dense<0.000000e+00> : vector<256xf32>
    %reduce_sum3A_232 = vector.multi_reduction <add>, %mul3A_230, %reduce_sum3A_231 [1] : vector<256x32xf32> to vector<256xf32>
    %broadcast_in_dim3A_233 = vector.shape_cast %reduce_sum3A_232 : vector<256xf32> to vector<256x1xf32>
    %sqrt3A_234 = math.sqrt %broadcast_in_dim3A_233 : vector<256x1xf32>
    %add3A_235 = arith.constant 9.99999997E-7 : f32
    %add3A_236 = vector.broadcast %add3A_235 : f32 to vector<256x1xf32>
    %add3A_237 = arith.addf %sqrt3A_234, %add3A_236 : vector<256x1xf32>
    %div3A_238 = vector.broadcast %add3A_237 : vector<256x1xf32> to vector<256x32xf32>
    %div3A_239 = arith.divf %slice3A_213, %div3A_238 : vector<256x32xf32>
    %dot_general3A_240 = arith.constant dense<0.000000e+00> : vector<256x256xf32>
    %dot_general3A_241 = tpu.matmul %div3A_229, %div3A_239, %dot_general3A_240 {dimension_numbers = #tpu.dot_dimension_numbers<[1], [1], [0], [0], [0, 0, 1, 0], [], []>, transpose_lhs_hint = false} : vector<256x32xf32>, vector<256x32xf32>, vector<256x256xf32> -> vector<256x256xf32>
    %gt3A_242 = arith.constant 0.899999976 : f32
    %gt3A_243 = vector.broadcast %gt3A_242 : f32 to vector<256x256xf32>
    %gt3A_244 = arith.cmpf ogt, %dot_general3A_241, %gt3A_243 : vector<256x256xf32>
    %jit3A_245 = arith.constant -1.000000e+04 : f32
    %broadcast_in_dim3A_246 = vector.broadcast %jit3A_245 : f32 to vector<256x256xf32>
    %select_n3A_247 = arith.select %gt3A_244, %mul3A_219, %broadcast_in_dim3A_246 : vector<256x256xi1>, vector<256x256xf32>
    %reduce_max3A_248 = arith.constant dense<0xFF800000> : vector<256xf32>
    %reduce_max3A_249 = vector.multi_reduction <maximumf>, %select_n3A_247, %reduce_max3A_248 [1] : vector<256x256xf32> to vector<256xf32>
    %broadcast_in_dim3A_250 = vector.shape_cast %reduce_max3A_249 : vector<256xf32> to vector<256x1xf32>
    %sub3A_251 = vector.broadcast %broadcast_in_dim3A_250 : vector<256x1xf32> to vector<256x256xf32>
    %sub3A_252 = arith.subf %select_n3A_247, %sub3A_251 : vector<256x256xf32>
    %exp3A_253 = math.exp %sub3A_252 : vector<256x256xf32>
    %reduce_sum3A_254 = arith.constant dense<0.000000e+00> : vector<256xf32>
    %reduce_sum3A_255 = vector.multi_reduction <add>, %exp3A_253, %reduce_sum3A_254 [1] : vector<256x256xf32> to vector<256xf32>
    %broadcast_in_dim3A_256 = vector.shape_cast %reduce_sum3A_255 : vector<256xf32> to vector<256x1xf32>
    %div3A_257 = vector.broadcast %broadcast_in_dim3A_256 : vector<256x1xf32> to vector<256x256xf32>
    %div3A_258 = arith.divf %exp3A_253, %div3A_257 : vector<256x256xf32>
    %reduce_or3A_259 = arith.constant 1.000000e+00 : f32
    %reduce_or3A_260 = arith.constant 0.000000e+00 : f32
    %reduce_or3A_261 = vector.broadcast %reduce_or3A_259 : f32 to vector<256x256xf32>
    %reduce_or3A_262 = vector.broadcast %reduce_or3A_260 : f32 to vector<256x256xf32>
    %reduce_or3A_263 = arith.select %gt3A_244, %reduce_or3A_261, %reduce_or3A_262 : vector<256x256xi1>, vector<256x256xf32>
    %reduce_or3A_264 = arith.constant dense<0xFF800000> : vector<256xf32>
    %reduce_or3A_265 = vector.multi_reduction <maximumf>, %reduce_or3A_263, %reduce_or3A_264 [1] : vector<256x256xf32> to vector<256xf32>
    %reduce_or3A_266 = arith.constant 0.000000e+00 : f32
    %reduce_or3A_267 = vector.broadcast %reduce_or3A_266 : f32 to vector<256xf32>
    %reduce_or3A_268 = arith.cmpf ogt, %reduce_or3A_265, %reduce_or3A_267 : vector<256xf32>
    %broadcast_in_dim3A_269 = vector.shape_cast %reduce_or3A_268 : vector<256xi1> to vector<256x1xi1>
    %jit3A_270 = arith.constant 0.000000e+00 : f32
    %broadcast_in_dim3A_271 = vector.shape_cast %broadcast_in_dim3A_269 : vector<256x1xi1> to vector<256x1xi1>
    %broadcast_in_dim3A_272 = vector.broadcast %broadcast_in_dim3A_271 : vector<256x1xi1> to vector<256x256xi1>
    %broadcast_in_dim3A_273 = vector.broadcast %jit3A_270 : f32 to vector<256x256xf32>
    %select_n3A_274 = arith.select %broadcast_in_dim3A_272, %div3A_258, %broadcast_in_dim3A_273 : vector<256x256xi1>, vector<256x256xf32>
    %dot_general3A_275 = arith.constant dense<0.000000e+00> : vector<256x32xf32>
    %dot_general3A_276 = tpu.matmul %select_n3A_274, %slice3A_214, %dot_general3A_275 {dimension_numbers = #tpu.dot_dimension_numbers<[1], [0], [0], [1], [0, 0, 1, 1], [], []>, transpose_lhs_hint = false} : vector<256x256xf32>, vector<256x32xf32>, vector<256x32xf32> -> vector<256x32xf32>
    %slice3A_277 = vector.extract_strided_slice %add3A_9 {offsets = [0, 128], sizes = [256, 32], strides = [1, 1]} : vector<256x256xf32> to vector<256x32xf32>
    %slice3A_278 = vector.extract_strided_slice %add3A_19 {offsets = [0, 128], sizes = [256, 32], strides = [1, 1]} : vector<256x256xf32> to vector<256x32xf32>
    %slice3A_279 = vector.extract_strided_slice %add3A_29 {offsets = [0, 128], sizes = [256, 32], strides = [1, 1]} : vector<256x256xf32> to vector<256x32xf32>
    %dot_general3A_280 = arith.constant dense<0.000000e+00> : vector<256x256xf32>
    %dot_general3A_281 = tpu.matmul %slice3A_277, %slice3A_278, %dot_general3A_280 {dimension_numbers = #tpu.dot_dimension_numbers<[1], [1], [0], [0], [0, 0, 1, 0], [], []>, transpose_lhs_hint = false} : vector<256x32xf32>, vector<256x32xf32>, vector<256x256xf32> -> vector<256x256xf32>
    %mul3A_282 = arith.constant 0.176776692 : f32
    %mul3A_283 = vector.broadcast %mul3A_282 : f32 to vector<256x256xf32>
    %mul3A_284 = arith.mulf %dot_general3A_281, %mul3A_283 : vector<256x256xf32>
    %mul3A_285 = arith.mulf %slice3A_277, %slice3A_277 : vector<256x32xf32>
    %reduce_sum3A_286 = arith.constant dense<0.000000e+00> : vector<256xf32>
    %reduce_sum3A_287 = vector.multi_reduction <add>, %mul3A_285, %reduce_sum3A_286 [1] : vector<256x32xf32> to vector<256xf32>
    %broadcast_in_dim3A_288 = vector.shape_cast %reduce_sum3A_287 : vector<256xf32> to vector<256x1xf32>
    %sqrt3A_289 = math.sqrt %broadcast_in_dim3A_288 : vector<256x1xf32>
    %add3A_290 = arith.constant 9.99999997E-7 : f32
    %add3A_291 = vector.broadcast %add3A_290 : f32 to vector<256x1xf32>
    %add3A_292 = arith.addf %sqrt3A_289, %add3A_291 : vector<256x1xf32>
    %div3A_293 = vector.broadcast %add3A_292 : vector<256x1xf32> to vector<256x32xf32>
    %div3A_294 = arith.divf %slice3A_277, %div3A_293 : vector<256x32xf32>
    %mul3A_295 = arith.mulf %slice3A_278, %slice3A_278 : vector<256x32xf32>
    %reduce_sum3A_296 = arith.constant dense<0.000000e+00> : vector<256xf32>
    %reduce_sum3A_297 = vector.multi_reduction <add>, %mul3A_295, %reduce_sum3A_296 [1] : vector<256x32xf32> to vector<256xf32>
    %broadcast_in_dim3A_298 = vector.shape_cast %reduce_sum3A_297 : vector<256xf32> to vector<256x1xf32>
    %sqrt3A_299 = math.sqrt %broadcast_in_dim3A_298 : vector<256x1xf32>
    %add3A_300 = arith.constant 9.99999997E-7 : f32
    %add3A_301 = vector.broadcast %add3A_300 : f32 to vector<256x1xf32>
    %add3A_302 = arith.addf %sqrt3A_299, %add3A_301 : vector<256x1xf32>
    %div3A_303 = vector.broadcast %add3A_302 : vector<256x1xf32> to vector<256x32xf32>
    %div3A_304 = arith.divf %slice3A_278, %div3A_303 : vector<256x32xf32>
    %dot_general3A_305 = arith.constant dense<0.000000e+00> : vector<256x256xf32>
    %dot_general3A_306 = tpu.matmul %div3A_294, %div3A_304, %dot_general3A_305 {dimension_numbers = #tpu.dot_dimension_numbers<[1], [1], [0], [0], [0, 0, 1, 0], [], []>, transpose_lhs_hint = false} : vector<256x32xf32>, vector<256x32xf32>, vector<256x256xf32> -> vector<256x256xf32>
    %gt3A_307 = arith.constant 0.899999976 : f32
    %gt3A_308 = vector.broadcast %gt3A_307 : f32 to vector<256x256xf32>
    %gt3A_309 = arith.cmpf ogt, %dot_general3A_306, %gt3A_308 : vector<256x256xf32>
    %jit3A_310 = arith.constant -1.000000e+04 : f32
    %broadcast_in_dim3A_311 = vector.broadcast %jit3A_310 : f32 to vector<256x256xf32>
    %select_n3A_312 = arith.select %gt3A_309, %mul3A_284, %broadcast_in_dim3A_311 : vector<256x256xi1>, vector<256x256xf32>
    %reduce_max3A_313 = arith.constant dense<0xFF800000> : vector<256xf32>
    %reduce_max3A_314 = vector.multi_reduction <maximumf>, %select_n3A_312, %reduce_max3A_313 [1] : vector<256x256xf32> to vector<256xf32>
    %broadcast_in_dim3A_315 = vector.shape_cast %reduce_max3A_314 : vector<256xf32> to vector<256x1xf32>
    %sub3A_316 = vector.broadcast %broadcast_in_dim3A_315 : vector<256x1xf32> to vector<256x256xf32>
    %sub3A_317 = arith.subf %select_n3A_312, %sub3A_316 : vector<256x256xf32>
    %exp3A_318 = math.exp %sub3A_317 : vector<256x256xf32>
    %reduce_sum3A_319 = arith.constant dense<0.000000e+00> : vector<256xf32>
    %reduce_sum3A_320 = vector.multi_reduction <add>, %exp3A_318, %reduce_sum3A_319 [1] : vector<256x256xf32> to vector<256xf32>
    %broadcast_in_dim3A_321 = vector.shape_cast %reduce_sum3A_320 : vector<256xf32> to vector<256x1xf32>
    %div3A_322 = vector.broadcast %broadcast_in_dim3A_321 : vector<256x1xf32> to vector<256x256xf32>
    %div3A_323 = arith.divf %exp3A_318, %div3A_322 : vector<256x256xf32>
    %reduce_or3A_324 = arith.constant 1.000000e+00 : f32
    %reduce_or3A_325 = arith.constant 0.000000e+00 : f32
    %reduce_or3A_326 = vector.broadcast %reduce_or3A_324 : f32 to vector<256x256xf32>
    %reduce_or3A_327 = vector.broadcast %reduce_or3A_325 : f32 to vector<256x256xf32>
    %reduce_or3A_328 = arith.select %gt3A_309, %reduce_or3A_326, %reduce_or3A_327 : vector<256x256xi1>, vector<256x256xf32>
    %reduce_or3A_329 = arith.constant dense<0xFF800000> : vector<256xf32>
    %reduce_or3A_330 = vector.multi_reduction <maximumf>, %reduce_or3A_328, %reduce_or3A_329 [1] : vector<256x256xf32> to vector<256xf32>
    %reduce_or3A_331 = arith.constant 0.000000e+00 : f32
    %reduce_or3A_332 = vector.broadcast %reduce_or3A_331 : f32 to vector<256xf32>
    %reduce_or3A_333 = arith.cmpf ogt, %reduce_or3A_330, %reduce_or3A_332 : vector<256xf32>
    %broadcast_in_dim3A_334 = vector.shape_cast %reduce_or3A_333 : vector<256xi1> to vector<256x1xi1>
    %jit3A_335 = arith.constant 0.000000e+00 : f32
    %broadcast_in_dim3A_336 = vector.shape_cast %broadcast_in_dim3A_334 : vector<256x1xi1> to vector<256x1xi1>
    %broadcast_in_dim3A_337 = vector.broadcast %broadcast_in_dim3A_336 : vector<256x1xi1> to vector<256x256xi1>
    %broadcast_in_dim3A_338 = vector.broadcast %jit3A_335 : f32 to vector<256x256xf32>
    %select_n3A_339 = arith.select %broadcast_in_dim3A_337, %div3A_323, %broadcast_in_dim3A_338 : vector<256x256xi1>, vector<256x256xf32>
    %dot_general3A_340 = arith.constant dense<0.000000e+00> : vector<256x32xf32>
    %dot_general3A_341 = tpu.matmul %select_n3A_339, %slice3A_279, %dot_general3A_340 {dimension_numbers = #tpu.dot_dimension_numbers<[1], [0], [0], [1], [0, 0, 1, 1], [], []>, transpose_lhs_hint = false} : vector<256x256xf32>, vector<256x32xf32>, vector<256x32xf32> -> vector<256x32xf32>
    %slice3A_342 = vector.extract_strided_slice %add3A_9 {offsets = [0, 160], sizes = [256, 32], strides = [1, 1]} : vector<256x256xf32> to vector<256x32xf32>
    %slice3A_343 = vector.extract_strided_slice %add3A_19 {offsets = [0, 160], sizes = [256, 32], strides = [1, 1]} : vector<256x256xf32> to vector<256x32xf32>
    %slice3A_344 = vector.extract_strided_slice %add3A_29 {offsets = [0, 160], sizes = [256, 32], strides = [1, 1]} : vector<256x256xf32> to vector<256x32xf32>
    %dot_general3A_345 = arith.constant dense<0.000000e+00> : vector<256x256xf32>
    %dot_general3A_346 = tpu.matmul %slice3A_342, %slice3A_343, %dot_general3A_345 {dimension_numbers = #tpu.dot_dimension_numbers<[1], [1], [0], [0], [0, 0, 1, 0], [], []>, transpose_lhs_hint = false} : vector<256x32xf32>, vector<256x32xf32>, vector<256x256xf32> -> vector<256x256xf32>
    %mul3A_347 = arith.constant 0.176776692 : f32
    %mul3A_348 = vector.broadcast %mul3A_347 : f32 to vector<256x256xf32>
    %mul3A_349 = arith.mulf %dot_general3A_346, %mul3A_348 : vector<256x256xf32>
    %mul3A_350 = arith.mulf %slice3A_342, %slice3A_342 : vector<256x32xf32>
    %reduce_sum3A_351 = arith.constant dense<0.000000e+00> : vector<256xf32>
    %reduce_sum3A_352 = vector.multi_reduction <add>, %mul3A_350, %reduce_sum3A_351 [1] : vector<256x32xf32> to vector<256xf32>
    %broadcast_in_dim3A_353 = vector.shape_cast %reduce_sum3A_352 : vector<256xf32> to vector<256x1xf32>
    %sqrt3A_354 = math.sqrt %broadcast_in_dim3A_353 : vector<256x1xf32>
    %add3A_355 = arith.constant 9.99999997E-7 : f32
    %add3A_356 = vector.broadcast %add3A_355 : f32 to vector<256x1xf32>
    %add3A_357 = arith.addf %sqrt3A_354, %add3A_356 : vector<256x1xf32>
    %div3A_358 = vector.broadcast %add3A_357 : vector<256x1xf32> to vector<256x32xf32>
    %div3A_359 = arith.divf %slice3A_342, %div3A_358 : vector<256x32xf32>
    %mul3A_360 = arith.mulf %slice3A_343, %slice3A_343 : vector<256x32xf32>
    %reduce_sum3A_361 = arith.constant dense<0.000000e+00> : vector<256xf32>
    %reduce_sum3A_362 = vector.multi_reduction <add>, %mul3A_360, %reduce_sum3A_361 [1] : vector<256x32xf32> to vector<256xf32>
    %broadcast_in_dim3A_363 = vector.shape_cast %reduce_sum3A_362 : vector<256xf32> to vector<256x1xf32>
    %sqrt3A_364 = math.sqrt %broadcast_in_dim3A_363 : vector<256x1xf32>
    %add3A_365 = arith.constant 9.99999997E-7 : f32
    %add3A_366 = vector.broadcast %add3A_365 : f32 to vector<256x1xf32>
    %add3A_367 = arith.addf %sqrt3A_364, %add3A_366 : vector<256x1xf32>
    %div3A_368 = vector.broadcast %add3A_367 : vector<256x1xf32> to vector<256x32xf32>
    %div3A_369 = arith.divf %slice3A_343, %div3A_368 : vector<256x32xf32>
    %dot_general3A_370 = arith.constant dense<0.000000e+00> : vector<256x256xf32>
    %dot_general3A_371 = tpu.matmul %div3A_359, %div3A_369, %dot_general3A_370 {dimension_numbers = #tpu.dot_dimension_numbers<[1], [1], [0], [0], [0, 0, 1, 0], [], []>, transpose_lhs_hint = false} : vector<256x32xf32>, vector<256x32xf32>, vector<256x256xf32> -> vector<256x256xf32>
    %gt3A_372 = arith.constant 0.899999976 : f32
    %gt3A_373 = vector.broadcast %gt3A_372 : f32 to vector<256x256xf32>
    %gt3A_374 = arith.cmpf ogt, %dot_general3A_371, %gt3A_373 : vector<256x256xf32>
    %jit3A_375 = arith.constant -1.000000e+04 : f32
    %broadcast_in_dim3A_376 = vector.broadcast %jit3A_375 : f32 to vector<256x256xf32>
    %select_n3A_377 = arith.select %gt3A_374, %mul3A_349, %broadcast_in_dim3A_376 : vector<256x256xi1>, vector<256x256xf32>
    %reduce_max3A_378 = arith.constant dense<0xFF800000> : vector<256xf32>
    %reduce_max3A_379 = vector.multi_reduction <maximumf>, %select_n3A_377, %reduce_max3A_378 [1] : vector<256x256xf32> to vector<256xf32>
    %broadcast_in_dim3A_380 = vector.shape_cast %reduce_max3A_379 : vector<256xf32> to vector<256x1xf32>
    %sub3A_381 = vector.broadcast %broadcast_in_dim3A_380 : vector<256x1xf32> to vector<256x256xf32>
    %sub3A_382 = arith.subf %select_n3A_377, %sub3A_381 : vector<256x256xf32>
    %exp3A_383 = math.exp %sub3A_382 : vector<256x256xf32>
    %reduce_sum3A_384 = arith.constant dense<0.000000e+00> : vector<256xf32>
    %reduce_sum3A_385 = vector.multi_reduction <add>, %exp3A_383, %reduce_sum3A_384 [1] : vector<256x256xf32> to vector<256xf32>
    %broadcast_in_dim3A_386 = vector.shape_cast %reduce_sum3A_385 : vector<256xf32> to vector<256x1xf32>
    %div3A_387 = vector.broadcast %broadcast_in_dim3A_386 : vector<256x1xf32> to vector<256x256xf32>
    %div3A_388 = arith.divf %exp3A_383, %div3A_387 : vector<256x256xf32>
    %reduce_or3A_389 = arith.constant 1.000000e+00 : f32
    %reduce_or3A_390 = arith.constant 0.000000e+00 : f32
    %reduce_or3A_391 = vector.broadcast %reduce_or3A_389 : f32 to vector<256x256xf32>
    %reduce_or3A_392 = vector.broadcast %reduce_or3A_390 : f32 to vector<256x256xf32>
    %reduce_or3A_393 = arith.select %gt3A_374, %reduce_or3A_391, %reduce_or3A_392 : vector<256x256xi1>, vector<256x256xf32>
    %reduce_or3A_394 = arith.constant dense<0xFF800000> : vector<256xf32>
    %reduce_or3A_395 = vector.multi_reduction <maximumf>, %reduce_or3A_393, %reduce_or3A_394 [1] : vector<256x256xf32> to vector<256xf32>
    %reduce_or3A_396 = arith.constant 0.000000e+00 : f32
    %reduce_or3A_397 = vector.broadcast %reduce_or3A_396 : f32 to vector<256xf32>
    %reduce_or3A_398 = arith.cmpf ogt, %reduce_or3A_395, %reduce_or3A_397 : vector<256xf32>
    %broadcast_in_dim3A_399 = vector.shape_cast %reduce_or3A_398 : vector<256xi1> to vector<256x1xi1>
    %jit3A_400 = arith.constant 0.000000e+00 : f32
    %broadcast_in_dim3A_401 = vector.shape_cast %broadcast_in_dim3A_399 : vector<256x1xi1> to vector<256x1xi1>
    %broadcast_in_dim3A_402 = vector.broadcast %broadcast_in_dim3A_401 : vector<256x1xi1> to vector<256x256xi1>
    %broadcast_in_dim3A_403 = vector.broadcast %jit3A_400 : f32 to vector<256x256xf32>
    %select_n3A_404 = arith.select %broadcast_in_dim3A_402, %div3A_388, %broadcast_in_dim3A_403 : vector<256x256xi1>, vector<256x256xf32>
    %dot_general3A_405 = arith.constant dense<0.000000e+00> : vector<256x32xf32>
    %dot_general3A_406 = tpu.matmul %select_n3A_404, %slice3A_344, %dot_general3A_405 {dimension_numbers = #tpu.dot_dimension_numbers<[1], [0], [0], [1], [0, 0, 1, 1], [], []>, transpose_lhs_hint = false} : vector<256x256xf32>, vector<256x32xf32>, vector<256x32xf32> -> vector<256x32xf32>
    %slice3A_407 = vector.extract_strided_slice %add3A_9 {offsets = [0, 192], sizes = [256, 32], strides = [1, 1]} : vector<256x256xf32> to vector<256x32xf32>
    %slice3A_408 = vector.extract_strided_slice %add3A_19 {offsets = [0, 192], sizes = [256, 32], strides = [1, 1]} : vector<256x256xf32> to vector<256x32xf32>
    %slice3A_409 = vector.extract_strided_slice %add3A_29 {offsets = [0, 192], sizes = [256, 32], strides = [1, 1]} : vector<256x256xf32> to vector<256x32xf32>
    %dot_general3A_410 = arith.constant dense<0.000000e+00> : vector<256x256xf32>
    %dot_general3A_411 = tpu.matmul %slice3A_407, %slice3A_408, %dot_general3A_410 {dimension_numbers = #tpu.dot_dimension_numbers<[1], [1], [0], [0], [0, 0, 1, 0], [], []>, transpose_lhs_hint = false} : vector<256x32xf32>, vector<256x32xf32>, vector<256x256xf32> -> vector<256x256xf32>
    %mul3A_412 = arith.constant 0.176776692 : f32
    %mul3A_413 = vector.broadcast %mul3A_412 : f32 to vector<256x256xf32>
    %mul3A_414 = arith.mulf %dot_general3A_411, %mul3A_413 : vector<256x256xf32>
    %mul3A_415 = arith.mulf %slice3A_407, %slice3A_407 : vector<256x32xf32>
    %reduce_sum3A_416 = arith.constant dense<0.000000e+00> : vector<256xf32>
    %reduce_sum3A_417 = vector.multi_reduction <add>, %mul3A_415, %reduce_sum3A_416 [1] : vector<256x32xf32> to vector<256xf32>
    %broadcast_in_dim3A_418 = vector.shape_cast %reduce_sum3A_417 : vector<256xf32> to vector<256x1xf32>
    %sqrt3A_419 = math.sqrt %broadcast_in_dim3A_418 : vector<256x1xf32>
    %add3A_420 = arith.constant 9.99999997E-7 : f32
    %add3A_421 = vector.broadcast %add3A_420 : f32 to vector<256x1xf32>
    %add3A_422 = arith.addf %sqrt3A_419, %add3A_421 : vector<256x1xf32>
    %div3A_423 = vector.broadcast %add3A_422 : vector<256x1xf32> to vector<256x32xf32>
    %div3A_424 = arith.divf %slice3A_407, %div3A_423 : vector<256x32xf32>
    %mul3A_425 = arith.mulf %slice3A_408, %slice3A_408 : vector<256x32xf32>
    %reduce_sum3A_426 = arith.constant dense<0.000000e+00> : vector<256xf32>
    %reduce_sum3A_427 = vector.multi_reduction <add>, %mul3A_425, %reduce_sum3A_426 [1] : vector<256x32xf32> to vector<256xf32>
    %broadcast_in_dim3A_428 = vector.shape_cast %reduce_sum3A_427 : vector<256xf32> to vector<256x1xf32>
    %sqrt3A_429 = math.sqrt %broadcast_in_dim3A_428 : vector<256x1xf32>
    %add3A_430 = arith.constant 9.99999997E-7 : f32
    %add3A_431 = vector.broadcast %add3A_430 : f32 to vector<256x1xf32>
    %add3A_432 = arith.addf %sqrt3A_429, %add3A_431 : vector<256x1xf32>
    %div3A_433 = vector.broadcast %add3A_432 : vector<256x1xf32> to vector<256x32xf32>
    %div3A_434 = arith.divf %slice3A_408, %div3A_433 : vector<256x32xf32>
    %dot_general3A_435 = arith.constant dense<0.000000e+00> : vector<256x256xf32>
    %dot_general3A_436 = tpu.matmul %div3A_424, %div3A_434, %dot_general3A_435 {dimension_numbers = #tpu.dot_dimension_numbers<[1], [1], [0], [0], [0, 0, 1, 0], [], []>, transpose_lhs_hint = false} : vector<256x32xf32>, vector<256x32xf32>, vector<256x256xf32> -> vector<256x256xf32>
    %gt3A_437 = arith.constant 0.899999976 : f32
    %gt3A_438 = vector.broadcast %gt3A_437 : f32 to vector<256x256xf32>
    %gt3A_439 = arith.cmpf ogt, %dot_general3A_436, %gt3A_438 : vector<256x256xf32>
    %jit3A_440 = arith.constant -1.000000e+04 : f32
    %broadcast_in_dim3A_441 = vector.broadcast %jit3A_440 : f32 to vector<256x256xf32>
    %select_n3A_442 = arith.select %gt3A_439, %mul3A_414, %broadcast_in_dim3A_441 : vector<256x256xi1>, vector<256x256xf32>
    %reduce_max3A_443 = arith.constant dense<0xFF800000> : vector<256xf32>
    %reduce_max3A_444 = vector.multi_reduction <maximumf>, %select_n3A_442, %reduce_max3A_443 [1] : vector<256x256xf32> to vector<256xf32>
    %broadcast_in_dim3A_445 = vector.shape_cast %reduce_max3A_444 : vector<256xf32> to vector<256x1xf32>
    %sub3A_446 = vector.broadcast %broadcast_in_dim3A_445 : vector<256x1xf32> to vector<256x256xf32>
    %sub3A_447 = arith.subf %select_n3A_442, %sub3A_446 : vector<256x256xf32>
    %exp3A_448 = math.exp %sub3A_447 : vector<256x256xf32>
    %reduce_sum3A_449 = arith.constant dense<0.000000e+00> : vector<256xf32>
    %reduce_sum3A_450 = vector.multi_reduction <add>, %exp3A_448, %reduce_sum3A_449 [1] : vector<256x256xf32> to vector<256xf32>
    %broadcast_in_dim3A_451 = vector.shape_cast %reduce_sum3A_450 : vector<256xf32> to vector<256x1xf32>
    %div3A_452 = vector.broadcast %broadcast_in_dim3A_451 : vector<256x1xf32> to vector<256x256xf32>
    %div3A_453 = arith.divf %exp3A_448, %div3A_452 : vector<256x256xf32>
    %reduce_or3A_454 = arith.constant 1.000000e+00 : f32
    %reduce_or3A_455 = arith.constant 0.000000e+00 : f32
    %reduce_or3A_456 = vector.broadcast %reduce_or3A_454 : f32 to vector<256x256xf32>
    %reduce_or3A_457 = vector.broadcast %reduce_or3A_455 : f32 to vector<256x256xf32>
    %reduce_or3A_458 = arith.select %gt3A_439, %reduce_or3A_456, %reduce_or3A_457 : vector<256x256xi1>, vector<256x256xf32>
    %reduce_or3A_459 = arith.constant dense<0xFF800000> : vector<256xf32>
    %reduce_or3A_460 = vector.multi_reduction <maximumf>, %reduce_or3A_458, %reduce_or3A_459 [1] : vector<256x256xf32> to vector<256xf32>
    %reduce_or3A_461 = arith.constant 0.000000e+00 : f32
    %reduce_or3A_462 = vector.broadcast %reduce_or3A_461 : f32 to vector<256xf32>
    %reduce_or3A_463 = arith.cmpf ogt, %reduce_or3A_460, %reduce_or3A_462 : vector<256xf32>
    %broadcast_in_dim3A_464 = vector.shape_cast %reduce_or3A_463 : vector<256xi1> to vector<256x1xi1>
    %jit3A_465 = arith.constant 0.000000e+00 : f32
    %broadcast_in_dim3A_466 = vector.shape_cast %broadcast_in_dim3A_464 : vector<256x1xi1> to vector<256x1xi1>
    %broadcast_in_dim3A_467 = vector.broadcast %broadcast_in_dim3A_466 : vector<256x1xi1> to vector<256x256xi1>
    %broadcast_in_dim3A_468 = vector.broadcast %jit3A_465 : f32 to vector<256x256xf32>
    %select_n3A_469 = arith.select %broadcast_in_dim3A_467, %div3A_453, %broadcast_in_dim3A_468 : vector<256x256xi1>, vector<256x256xf32>
    %dot_general3A_470 = arith.constant dense<0.000000e+00> : vector<256x32xf32>
    %dot_general3A_471 = tpu.matmul %select_n3A_469, %slice3A_409, %dot_general3A_470 {dimension_numbers = #tpu.dot_dimension_numbers<[1], [0], [0], [1], [0, 0, 1, 1], [], []>, transpose_lhs_hint = false} : vector<256x256xf32>, vector<256x32xf32>, vector<256x32xf32> -> vector<256x32xf32>
    %slice3A_472 = vector.extract_strided_slice %add3A_9 {offsets = [0, 224], sizes = [256, 32], strides = [1, 1]} : vector<256x256xf32> to vector<256x32xf32>
    %slice3A_473 = vector.extract_strided_slice %add3A_19 {offsets = [0, 224], sizes = [256, 32], strides = [1, 1]} : vector<256x256xf32> to vector<256x32xf32>
    %slice3A_474 = vector.extract_strided_slice %add3A_29 {offsets = [0, 224], sizes = [256, 32], strides = [1, 1]} : vector<256x256xf32> to vector<256x32xf32>
    %dot_general3A_475 = arith.constant dense<0.000000e+00> : vector<256x256xf32>
    %dot_general3A_476 = tpu.matmul %slice3A_472, %slice3A_473, %dot_general3A_475 {dimension_numbers = #tpu.dot_dimension_numbers<[1], [1], [0], [0], [0, 0, 1, 0], [], []>, transpose_lhs_hint = false} : vector<256x32xf32>, vector<256x32xf32>, vector<256x256xf32> -> vector<256x256xf32>
    %mul3A_477 = arith.constant 0.176776692 : f32
    %mul3A_478 = vector.broadcast %mul3A_477 : f32 to vector<256x256xf32>
    %mul3A_479 = arith.mulf %dot_general3A_476, %mul3A_478 : vector<256x256xf32>
    %mul3A_480 = arith.mulf %slice3A_472, %slice3A_472 : vector<256x32xf32>
    %reduce_sum3A_481 = arith.constant dense<0.000000e+00> : vector<256xf32>
    %reduce_sum3A_482 = vector.multi_reduction <add>, %mul3A_480, %reduce_sum3A_481 [1] : vector<256x32xf32> to vector<256xf32>
    %broadcast_in_dim3A_483 = vector.shape_cast %reduce_sum3A_482 : vector<256xf32> to vector<256x1xf32>
    %sqrt3A_484 = math.sqrt %broadcast_in_dim3A_483 : vector<256x1xf32>
    %add3A_485 = arith.constant 9.99999997E-7 : f32
    %add3A_486 = vector.broadcast %add3A_485 : f32 to vector<256x1xf32>
    %add3A_487 = arith.addf %sqrt3A_484, %add3A_486 : vector<256x1xf32>
    %div3A_488 = vector.broadcast %add3A_487 : vector<256x1xf32> to vector<256x32xf32>
    %div3A_489 = arith.divf %slice3A_472, %div3A_488 : vector<256x32xf32>
    %mul3A_490 = arith.mulf %slice3A_473, %slice3A_473 : vector<256x32xf32>
    %reduce_sum3A_491 = arith.constant dense<0.000000e+00> : vector<256xf32>
    %reduce_sum3A_492 = vector.multi_reduction <add>, %mul3A_490, %reduce_sum3A_491 [1] : vector<256x32xf32> to vector<256xf32>
    %broadcast_in_dim3A_493 = vector.shape_cast %reduce_sum3A_492 : vector<256xf32> to vector<256x1xf32>
    %sqrt3A_494 = math.sqrt %broadcast_in_dim3A_493 : vector<256x1xf32>
    %add3A_495 = arith.constant 9.99999997E-7 : f32
    %add3A_496 = vector.broadcast %add3A_495 : f32 to vector<256x1xf32>
    %add3A_497 = arith.addf %sqrt3A_494, %add3A_496 : vector<256x1xf32>
    %div3A_498 = vector.broadcast %add3A_497 : vector<256x1xf32> to vector<256x32xf32>
    %div3A_499 = arith.divf %slice3A_473, %div3A_498 : vector<256x32xf32>
    %dot_general3A_500 = arith.constant dense<0.000000e+00> : vector<256x256xf32>
    %dot_general3A_501 = tpu.matmul %div3A_489, %div3A_499, %dot_general3A_500 {dimension_numbers = #tpu.dot_dimension_numbers<[1], [1], [0], [0], [0, 0, 1, 0], [], []>, transpose_lhs_hint = false} : vector<256x32xf32>, vector<256x32xf32>, vector<256x256xf32> -> vector<256x256xf32>
    %gt3A_502 = arith.constant 0.899999976 : f32
    %gt3A_503 = vector.broadcast %gt3A_502 : f32 to vector<256x256xf32>
    %gt3A_504 = arith.cmpf ogt, %dot_general3A_501, %gt3A_503 : vector<256x256xf32>
    %jit3A_505 = arith.constant -1.000000e+04 : f32
    %broadcast_in_dim3A_506 = vector.broadcast %jit3A_505 : f32 to vector<256x256xf32>
    %select_n3A_507 = arith.select %gt3A_504, %mul3A_479, %broadcast_in_dim3A_506 : vector<256x256xi1>, vector<256x256xf32>
    %reduce_max3A_508 = arith.constant dense<0xFF800000> : vector<256xf32>
    %reduce_max3A_509 = vector.multi_reduction <maximumf>, %select_n3A_507, %reduce_max3A_508 [1] : vector<256x256xf32> to vector<256xf32>
    %broadcast_in_dim3A_510 = vector.shape_cast %reduce_max3A_509 : vector<256xf32> to vector<256x1xf32>
    %sub3A_511 = vector.broadcast %broadcast_in_dim3A_510 : vector<256x1xf32> to vector<256x256xf32>
    %sub3A_512 = arith.subf %select_n3A_507, %sub3A_511 : vector<256x256xf32>
    %exp3A_513 = math.exp %sub3A_512 : vector<256x256xf32>
    %reduce_sum3A_514 = arith.constant dense<0.000000e+00> : vector<256xf32>
    %reduce_sum3A_515 = vector.multi_reduction <add>, %exp3A_513, %reduce_sum3A_514 [1] : vector<256x256xf32> to vector<256xf32>
    %broadcast_in_dim3A_516 = vector.shape_cast %reduce_sum3A_515 : vector<256xf32> to vector<256x1xf32>
    %div3A_517 = vector.broadcast %broadcast_in_dim3A_516 : vector<256x1xf32> to vector<256x256xf32>
    %div3A_518 = arith.divf %exp3A_513, %div3A_517 : vector<256x256xf32>
    %reduce_or3A_519 = arith.constant 1.000000e+00 : f32
    %reduce_or3A_520 = arith.constant 0.000000e+00 : f32
    %reduce_or3A_521 = vector.broadcast %reduce_or3A_519 : f32 to vector<256x256xf32>
    %reduce_or3A_522 = vector.broadcast %reduce_or3A_520 : f32 to vector<256x256xf32>
    %reduce_or3A_523 = arith.select %gt3A_504, %reduce_or3A_521, %reduce_or3A_522 : vector<256x256xi1>, vector<256x256xf32>
    %reduce_or3A_524 = arith.constant dense<0xFF800000> : vector<256xf32>
    %reduce_or3A_525 = vector.multi_reduction <maximumf>, %reduce_or3A_523, %reduce_or3A_524 [1] : vector<256x256xf32> to vector<256xf32>
    %reduce_or3A_526 = arith.constant 0.000000e+00 : f32
    %reduce_or3A_527 = vector.broadcast %reduce_or3A_526 : f32 to vector<256xf32>
    %reduce_or3A_528 = arith.cmpf ogt, %reduce_or3A_525, %reduce_or3A_527 : vector<256xf32>
    %broadcast_in_dim3A_529 = vector.shape_cast %reduce_or3A_528 : vector<256xi1> to vector<256x1xi1>
    %jit3A_530 = arith.constant 0.000000e+00 : f32
    %broadcast_in_dim3A_531 = vector.shape_cast %broadcast_in_dim3A_529 : vector<256x1xi1> to vector<256x1xi1>
    %broadcast_in_dim3A_532 = vector.broadcast %broadcast_in_dim3A_531 : vector<256x1xi1> to vector<256x256xi1>
    %broadcast_in_dim3A_533 = vector.broadcast %jit3A_530 : f32 to vector<256x256xf32>
    %select_n3A_534 = arith.select %broadcast_in_dim3A_532, %div3A_518, %broadcast_in_dim3A_533 : vector<256x256xi1>, vector<256x256xf32>
    %dot_general3A_535 = arith.constant dense<0.000000e+00> : vector<256x32xf32>
    %dot_general3A_536 = tpu.matmul %select_n3A_534, %slice3A_474, %dot_general3A_535 {dimension_numbers = #tpu.dot_dimension_numbers<[1], [0], [0], [1], [0, 0, 1, 1], [], []>, transpose_lhs_hint = false} : vector<256x256xf32>, vector<256x32xf32>, vector<256x32xf32> -> vector<256x32xf32>
    %concatenate3A = tpu.concatenate %dot_general3A_81, %dot_general3A_146, %dot_general3A_211, %dot_general3A_276, %dot_general3A_341, %dot_general3A_406, %dot_general3A_471, %dot_general3A_536 in 1 : vector<256x32xf32>, vector<256x32xf32>, vector<256x32xf32>, vector<256x32xf32>, vector<256x32xf32>, vector<256x32xf32>, vector<256x32xf32>, vector<256x32xf32> -> vector<256x256xf32>
    %concatenate3A_537 = tpu.concatenate %concatenate3A, %get3A_1 in 1 : vector<256x256xf32>, vector<256x256xf32> -> vector<256x512xf32>
    %get3A_538 = arith.constant 0 : index
    %get3A_539 = arith.constant 0 : index
    %get3A_540 = vector.load %arg8[%get3A_538, %get3A_539] : memref<256x512xf32, #tpu.memory_space<vmem>>, vector<256x512xf32>
    %dot_general3A_541 = arith.constant dense<0.000000e+00> : vector<256x256xf32>
    %dot_general3A_542 = tpu.matmul %concatenate3A_537, %get3A_540, %dot_general3A_541 {dimension_numbers = #tpu.dot_dimension_numbers<[1], [1], [0], [0], [0, 0, 1, 0], [], []>, transpose_lhs_hint = false} : vector<256x512xf32>, vector<256x512xf32>, vector<256x256xf32> -> vector<256x256xf32>
    %get3A_543 = arith.constant 0 : index
    %get3A_544 = arith.constant 0 : index
    %get3A_545 = vector.load %arg9[%get3A_543, %get3A_544] : memref<1x256xf32, #tpu.memory_space<vmem>>, vector<1x256xf32>
    %add3A_546 = vector.broadcast %get3A_545 : vector<1x256xf32> to vector<256x256xf32>
    %add3A_547 = arith.addf %dot_general3A_542, %add3A_546 : vector<256x256xf32>
    %mul3A_548 = arith.constant 5.000000e-01 : f32
    %mul3A_549 = vector.broadcast %mul3A_548 : f32 to vector<256x256xf32>
    %mul3A_550 = arith.mulf %mul3A_549, %get3A_1 : vector<256x256xf32>
    %mul3A_551 = arith.constant 5.000000e-01 : f32
    %mul3A_552 = vector.broadcast %mul3A_551 : f32 to vector<256x256xf32>
    %mul3A_553 = arith.mulf %mul3A_552, %add3A_547 : vector<256x256xf32>
    %add3A_554 = arith.addf %mul3A_550, %mul3A_553 : vector<256x256xf32>
    %swap3A = arith.constant 0 : index
    %swap3A_555 = arith.constant 0 : index
    %swap3A_556 = vector.load %arg12[%swap3A, %swap3A_555] : memref<256x256xf32, #tpu.memory_space<vmem>>, vector<256x256xf32>
    tpu.vector_store %arg12[%swap3A, %swap3A_555], %add3A_554 {strides = array<i32>} : memref<256x256xf32, #tpu.memory_space<vmem>>, vector<256x256xf32>,
    %scan3A = arith.constant 0 : i32
    %scan3A_557 = arith.constant 256 : i32
    %scan3A_558 = arith.addi %scan3A, %scan3A_557 : i32
    %scan3A_559 = arith.constant 1 : i32
    scf.for %scan3A_566 = %scan3A to %scan3A_558 step %scan3A_559  : i32 {
      %get3A_567 = arith.index_cast %scan3A_566 : i32 to index
      %get3A_568 = memref.load %arg0[%get3A_567] : memref<256xi32, #tpu.memory_space<smem>>
      %jit3A_569 = arith.constant 0 : i32
      %jit3A_570 = arith.constant 99999 : i32
      %max3A = arith.maxsi %jit3A_569, %get3A_568 : i32
      %min3A = arith.minsi %jit3A_570, %max3A : i32
      %dma_start3A = arith.constant 0 : i32
      %dma_start3A_571 = tpu.memref_slice %arg11[%min3A, %dma_start3A] : memref<100000x256xf32, #tpu.memory_space<any>> -> memref<1x256xf32, #tpu.memory_space<any>>
      %dma_start3A_572 = arith.constant 0 : i32
      %dma_start3A_573 = tpu.memref_slice %arg12[%scan3A_566, %dma_start3A_572] : memref<256x256xf32, #tpu.memory_space<vmem>> -> memref<1x256xf32, #tpu.memory_space<vmem>>
      tpu.enqueue_dma source(%dma_start3A_573 : memref<1x256xf32, #tpu.memory_space<vmem>>) target(%dma_start3A_571 : memref<1x256xf32, #tpu.memory_space<any>>) target_semaphore(%arg13 : memref<!tpu.dma_semaphore, #tpu.memory_space<semaphore_mem>>)
    }
    %scan3A_560 = arith.constant 256 : i32
    %scan3A_561 = arith.constant 0 : i32
    %scan3A_562 = arith.constant 256 : i32
    %scan3A_563 = arith.addi %scan3A_561, %scan3A_562 : i32
    %scan3A_564 = arith.constant 1 : i32
    scf.for %scan3A_566 = %scan3A_561 to %scan3A_563 step %scan3A_564  : i32 {
      %dma_wait3A = arith.constant 0 : i32
      %dma_wait3A_567 = arith.constant 0 : i32
      %dma_wait3A_568 = tpu.memref_slice %arg11[%dma_wait3A, %dma_wait3A_567] : memref<100000x256xf32, #tpu.memory_space<any>> -> memref<1x256xf32, #tpu.memory_space<any>>
      %dma_wait3A_569 = arith.constant 0 : i32
      %dma_wait3A_570 = tpu.memref_slice %arg12[%scan3A_566, %dma_wait3A_569] : memref<256x256xf32, #tpu.memory_space<vmem>> -> memref<1x256xf32, #tpu.memory_space<vmem>>
      tpu.wait_dma2 semaphore(%arg13 : memref<!tpu.dma_semaphore, #tpu.memory_space<semaphore_mem>>) src(%dma_wait3A_570 : memref<1x256xf32, #tpu.memory_space<vmem>>) dst(%dma_wait3A_568 : memref<1x256xf32, #tpu.memory_space<any>>)
    }
    %scan3A_565 = arith.constant 256 : i32
    return
  }
}

</mosaic_0001>

<sc_bundles>
// kernel: kernel.6.cloned.1.call-start
scs
__scs_entry_jumppad:
0x0: {  	(pc) =	sbr.rel $0x88, $3  }
0x1: {  	(tag) =	ssettag $0x0;
	lr =	simm.s32 $0x1  }
0x2: {  	[smem:$0x3F96] =	sst lr;
	_ =	strace $0xD0000000  }
0x3: {  	_ = 	snop  }
0x4: {  	_ = 	snop  }
0x5: {  	_ = 	snop  }
0x6: {  	_ = 	snop  }
0x7: {  	_ = 	snop  }
__scs_overlays_trampoline_lowered:
0x8: {  	[smem:$0x3FA5] =	sst s0  }
0x9: {  	[smem:$0x3FA6] =	sst s1  }
0xa: {  	[smem:$0x3FA7] =	sst s2  }
0xb: {  	[smem:$0x3FA8] =	sst s3  }
0xc: {  	[smem:$0x3FA9] =	sst s4  }
0xd: {  	[smem:$0x3FAA] =	sst s5  }
0xe: {  	[smem:$0x3FAB] =	sst s6  }
0xf: {  	[smem:$0x3FAC] =	sst s7  }
0x10: {  	[smem:$0x3FAD] =	sst s8  }
0x11: {  	[smem:$0x3FAE] =	sst s9;
	s0 =	simm.s32 @!p0 $0x0  }
0x12: {  	s1 =	sld [smem:$0x3F94];
	s0 =	simm.s32 @p0 $0x1  }
0x13: {  	[smem:$0x3FAF] =	sst s0;
	s0 =	simm.s32 @!p1 $0x0  }
0x14: {  	s2 =	sld [smem:$0x3F93];
	s0 =	simm.s32 @p1 $0x1  }
0x15: {  	[smem:$0x3FB0] =	sst s0;
	s0 =	simm.s32 @!p2 $0x0  }
0x16: {  	s3 =	sld [smem:$0x3FDB];
	s0 =	simm.s32 @p2 $0x1  }
0x17: {  	s4 =	simm.s32 $0x1BF5;
	[smem:$0x3FB2] =	sst s0  }
0x18: {  	s0 =	sld [smem:$0x3F95];
	_ =	swait.ge [sflag:s4], $0x0  }
0x19: {  	s7 =	sld [smem:$0x3F96]  }
0x1a: {  	s8 =	sadd.s32 $0xFFFFE003, lr  }
0x1b: {  	s9 =	sadd.s32 $0xFFFFFEF7, lr;
	s5 =	simm.s32 $0xFFFFFFFF;
	p2 =	slt.u32 s8, $0xFFFFF086  }
0x1c: {  	p1 =	slt.u32 s9, $0xF7A;
	s5 =	simm.s32 @!p2 $0x0  }
0x1d: {  	s5 =	simm.s32 @p1 $0x1;
	p0 =	seq.s32 s7, s2  }
0x1e: {  	s7 =	smul.u32 @!p0 $0xF7A, s2;
	p2 =	seq.s32 @!p0 s5, $0x0  }
0x1f: {  	s9 =	smul.u32 $0xF7A, s1;
	s8 =	simm.s32 @!p0 $0x1BF5;
	p2 =	por !p2, p0  }
0x20: {  	[sflag:s8] =	ssyncset.s32 @!p0 $0xFFFFF086;
	s6 =	sadd.s32 @!p0 s3, s7;
	s7 =	simm.s32 @!p0 $0x108  }
0x21: {  	s3 =	sadd.s32 s3, s9;
	s6 =	sadd.s32 @!p0 $0x88, s6;
	s7 =	simm.s32 @p2 $0x1082  }
0x22: {  	[simem:s7], [sflag:s8] =	dma.local @!p0 [hbm:s6], $0xF7A  }
0x23: {  	s9 =	sor.u32 $0xD0000000, s2;
	s6 =	simm.s32 $0x108;
	_ =	swait.ge @!p0 [sflag:s8], $0x0  }
0x24: {  	s3 =	sadd.s32 $0x88, s3;
	s6 =	simm.s32 @!p1 $0x1082;
	[sflag:s4] =	ssyncset.s32 $0xFFFFF086  }
0x25: {  	[simem:s6], [sflag:s4] =	dma.local [hbm:s3], $0xF7A  }
0x26: {  	[smem:$0x3F96] =	sst s1;
	(tag) =	ssettag s2;
	_ =	strace s9  }
0x27: {  	s1 =	sld [smem:$0x3FA6]  }
0x28: {  	s2 =	sld [smem:$0x3FA7]  }
0x29: {  	s4 =	sld [smem:$0x3FA9]  }
0x2a: {  	p0 =	seq.s32 s5, $0x0;
	s5 =	sld [smem:$0x3FAA]  }
0x2b: {  	s6 =	sld [smem:$0x3FAB]  }
0x2c: {  	s7 =	sld [smem:$0x3FAC]  }
0x2d: {  	s3 =	simm.s32 $0x108;
	s8 =	sld [smem:$0x3FAD]  }
0x2e: {  	s3 =	simm.s32 @!p0 $0x1082;
	s9 =	sld [smem:$0x3FAE]  }
0x2f: {  	lr =	sadd.s32 s0, s3;
	s0 =	sld [smem:$0x3FA5]  }
0x30: {  	s3 =	sld [smem:$0x3FA8]  }
0x31: {  	[smem:$0x3FB1] =	sst s10  }
0x32: {  	s10 =	sld [smem:$0x3FAF];
	_ =	sdelay $0x3  }
0x33: {  	p0 =	seq.s32 s10, $0x1;
	s10 =	sld [smem:$0x3FB1];
	_ =	sdelay $0x3  }
0x34: {  	[smem:$0x3FB1] =	sst s10  }
0x35: {  	s10 =	sld [smem:$0x3FB0];
	_ =	sdelay $0x3  }
0x36: {  	p1 =	seq.s32 s10, $0x1;
	s10 =	sld [smem:$0x3FB1];
	_ =	sdelay $0x3  }
0x37: {  	[smem:$0x3FB1] =	sst s10  }
0x38: {  	s10 =	sld [smem:$0x3FB2]  }
0x39: {  	_ = 	snop;
	(pc) =	sbr.ind lr, $3  }
0x3a: {  	_ = 	snop  }
0x3b: {  	_ = 	snop  }
0x3c: {  	p2 =	seq.s32 s10, $0x1;
	s10 =	sld [smem:$0x3FB1]  }
0x3d: {  	_ =	shalt  }
0x3e: {  	_ =	shalt  }
0x3f: {  	_ =	shalt  }
0x40: {  	_ =	shalt  }
0x41: {  	_ =	shalt  }
0x42: {  	_ =	shalt  }
0x43: {  	_ =	shalt  }
0x44: {  	_ =	shalt  }
0x45: {  	_ =	shalt  }
0x46: {  	_ =	shalt  }
0x47: {  	_ =	shalt  }
0x48: {  	_ =	shalt  }
0x49: {  	_ =	shalt  }
0x4a: {  	_ =	shalt  }
0x4b: {  	_ =	shalt  }
0x4c: {  	_ =	shalt  }
0x4d: {  	_ =	shalt  }
0x4e: {  	_ =	shalt  }
0x4f: {  	_ =	shalt  }
0x50: {  	_ =	shalt  }
0x51: {  	_ =	shalt  }
0x52: {  	_ =	shalt  }
0x53: {  	_ =	shalt  }
0x54: {  	_ =	shalt  }
0x55: {  	_ =	shalt  }
0x56: {  	_ =	shalt  }
0x57: {  	_ =	shalt  }
0x58: {  	_ =	shalt  }
0x59: {  	_ =	shalt  }
0x5a: {  	_ =	shalt  }
0x5b: {  	_ =	shalt  }
0x5c: {  	_ =	shalt  }
0x5d: {  	_ =	shalt  }
0x5e: {  	_ =	shalt  }
0x5f: {  	_ =	shalt  }
0x60: {  	_ =	shalt  }
0x61: {  	_ =	shalt  }
0x62: {  	_ =	shalt  }
0x63: {  	_ =	shalt  }
0x64: {  	_ =	shalt  }
0x65: {  	_ =	shalt  }
0x66: {  	_ =	shalt  }
0x67: {  	_ =	shalt  }
0x68: {  	_ =	shalt  }
0x69: {  	_ =	shalt  }
0x6a: {  	_ =	shalt  }
0x6b: {  	_ =	shalt  }
0x6c: {  	_ =	shalt  }
0x6d: {  	_ =	shalt  }
0x6e: {  	_ =	shalt  }
0x6f: {  	_ =	shalt  }
0x70: {  	_ =	shalt  }
0x71: {  	_ =	shalt  }
0x72: {  	_ =	shalt  }
0x73: {  	_ =	shalt  }
0x74: {  	_ =	shalt  }
0x75: {  	_ =	shalt  }
0x76: {  	_ =	shalt  }
0x77: {  	_ =	shalt  }
0x78: {  	_ =	shalt  }
0x79: {  	_ =	shalt  }
0x7a: {  	_ =	shalt  }
0x7b: {  	_ =	shalt  }
0x7c: {  	_ =	shalt  }
0x7d: {  	_ =	shalt  }
0x7e: {  	_ =	shalt  }
0x7f: {  	_ =	shalt  }
0x80: {  	_ =	shalt  }
0x81: {  	_ =	shalt  }
0x82: {  	_ =	shalt  }
0x83: {  	_ =	shalt  }
0x84: {  	_ =	shalt  }
0x85: {  	_ =	shalt  }
0x86: {  	_ =	shalt  }
0x87: {  	_ =	shalt  }
.Lfunc_end0:
.L_simem_size_0:
called_computation_lowered:
.L_overlay_start_0:
0x88: {  	s0 =	sld [smem:$0x3FD9]  }
0x89: {  	s1 =	sld [smem:$0x3FFE];
	_ =	sdelay $0x3  }
0x8a: {  	s0 =	sadd.s32 s1, s0  }
0x8b: {  	[smem:$0x3FBD] =	sst s0  }
0x8c: {  	_ = 	snop  }
0x8d: {  	s0 =	sld [smem:$0x3FC9];
	(tm) =	ssettm $0x1  }
0x8e: {  	s16 =	sld [smem:$0x3FFB];
	_ =	sdelay $0x3  }
0x8f: {  	_ =	strace s16  }
0x90: {  	s1 =	sld [smem:$0x3FFC];
	_ =	sdelay $0x3  }
0x91: {  	_ =	strace s1  }
0x92: {  	s1 =	sld [smem:$0x3FFD];
	_ =	sdelay $0x3  }
0x93: {  	_ =	strace s1  }
0x94: {  	_ =	strace $0x8FFFFFFF  }
0x95: {  	s17 =	sld [smem:$0x3FDB];
	_ =	sdelay $0x1  }
0x96: {  	s2 =	simm.s32 $_scs_section_size  }
0x97: {  	s3 =	simm.s32 $_size__tile_overlayer_lowered;
	s4 =	simm.s32 $_tile_overlayer_lowered  }
0x98: {  	s20 =	simm.s32 $0x1BFF;
	s19 =	sshll.u32 s4, $0x1;
	s1 =	sadd.s32 s2, s17  }
0x99: {  	s5 =	simm.s32 $0x0;
	s18 =	sshll.u32 s3, $0x1;
	s3 =	sadd.s32 s19, s1  }
0x9a: {  	[timem:s5], [sflag:s20] =	dma.local [hbm:s3], s18  }
0x9b: {  	_ =	swait.ge [sflag:s20], s18  }
0x9c: {  	s2 =	ssub.s32 $0x0, s18;
	[sflag:s20] =	ssyncset.done $0x0  }
0x9d: {  	[sflag:s20] =	ssyncadd.s32 s2;
	_ =	sdelay $0x1  }
0x9e: {  	s21 =	simm.s32 $0x1B8B  }
0x9f: {  	_ =	swait.ge [sflag:s21], $0x1  }
0xa0: {  	[sflag:s21] =	ssyncset.done $0x0  }
0xa1: {  	s23 =	simm.s32 $0x1B8E;
	s22 =	sld [smem:$0x3FFE];
	[sflag:s21] =	ssyncadd.s32 $0xFFFFFFFF  }
0xa2: {  	s24 =	simm.s32 $execute0_lowered;
	[smem:$0x3FD2] =	sst s23  }
0xa3: {  	s3 =	sshll.u32 s24, $0x1;
	_ =	strace $0x80000046;
	[dreg:$0x1] =	wrdreg $0xFFFFFFFF  }
0xa4: {  	s25 =	simm.s32 $_size_execute0_lowered;
	s1 =	sadd.s32 s1, s3;
	[dreg:$0x0] =	wrdreg $0x0  }
0xa5: {  	s3 =	sshll.u32 s25, $0x1;
	[dreg:$0x2] =	wrdreg s1  }
0xa6: {  	[dreg:$0x3] =	wrdreg s3  }
0xa7: {  	[dreg:$0x4] =	wrdreg $0xC0  }
0xa8: {  	_ =	task [dreg:s5], $0x5FFFF  }
0xa9: {  	[dreg:$0x1] =	wrdreg $0xFFFFFFFF  }
0xaa: {  	[dreg:$0x0] =	wrdreg $0x60  }
0xab: {  	[dreg:$0x2] =	wrdreg s22  }
0xac: {  	[dreg:$0x3] =	wrdreg s0  }
0xad: {  	[dreg:$0x4] =	wrdreg $0x9  }
0xae: {  	_ =	task.clear_ibuf [dreg:s5], $0x5FFFF;
	_ =	strace $0x90000046  }
0xaf: {  	s26 =	simm.s32 $0x9;
	_ =	strace $0x80000048  }
0xb0: {  	_ =	swait.ge [sflag:s26], $0x1  }
0xb1: {  	[sflag:s26] =	ssyncadd.s32 $0xFFFFFFFF  }
0xb2: {  	_ =	strace $0x90000048  }
0xb3: {  	_ =	sfence  }
0xb4: {  	s28 =	sld [smem:$0x0];
	_ =	sdelay $0x1  }
0xb5: {  	s29 =	srdreg.scid  }
0xb6: {  	s30 =	sshll.u32 s29, $0xD;
	s31 =	sshrl.u32 s29, $0x2  }
0xb7: {  	s2 =	sand.u32 $0x4000, s30;
	s1 =	sand.u32 $0x1, s29;
	s0 =	sadd.s32 s31, s28  }
0xb8: {  	s1 =	sor.u32 s2, s1;
	s0 =	sshll.u32 s0, $0x11  }
0xb9: {  	s0 =	sor.u32 s0, s1  }
0xba: {  	s0 =	sadd.s32 $0x8F2B, s0  }
0xbb: {  	[sflag:s0] =	ssyncadd.remote.s32 $0x1  }
0xbc: {  	_ =	sfence.sel $0xFFFF  }
0xbd: {  	[dreg:$0x0] =	wrdreg $0xFFFFFFFF;
	(pc) =	sbr.abs _section_cstart, $3  }
0xbe: {  	[dreg:$0x1] =	wrdreg $0xFFFFFFFF  }
0xbf: {  	_ =	task.clear_ibuf [dreg:s5], $0x2FFFF;
	_ =	strace $0x9FFFFFFF  }
0xc0: {  	(tm) =	ssettm $0x7FFFFFFF  }
0xc1: {  	_ =	shalt  }
tec
execute0_lowered:
.L_overlay_start_1:
0x0: {  	(tag) =	ssettag $0x1  }
0x1: {  	s2 =	rddreg [dreg:$0x0];
	s3 =	stileid.u32  }
0x2: {  	s1 =	rddreg [dreg:$0x1];
	s5 =	smul.u32 $0x1880, s3  }
0x3: {  	s0 =	rddreg [dreg:$0x2];
	s4 =	simm.s32 $0x0;
	p0 =	sne.s32 s3, $0x0  }
0x4: {  	[smem:$0x7FF] =	sst s4;
	s6 =	simm.s32 @!p0 $0x0;
	s28 =	sshrl.u32 s5, $0x3  }
0x5: {  	_ =	strace $0x80000047;
	[smem:$0x0] =	sst @!p0 s6;
	s3 =	sadd.s32 s28, s2  }
0x6: {  	s29 =	simm.s32 $0x3;
	[bflag:$0x0] =	sbarrier.arrive $0xFFFF;
	s3 =	sadd.s32 $0x1800, s3  }
0x7: {  	[tilespmem:s4], [sflag:$0x3] =	stream.linear.gather [hbm4b:s3+s4], $0x1880, $0x38;
	[tilespmem:$0x2A80] =	vst v63  }
0x8: {  	_ =	swait.ge [sflag:s29], $0x1880  }
0x9: {  	[sflag:s29] =	ssyncset.done $0x0  }
0xa: {  	s7 =	simm.s32 $0x1A00;
	s30 =	sadd.s32 $0x4A00, s2;
	[sflag:s29] =	ssyncadd.s32 $0xFFFFE780  }
0xb: {  	[tilespmem:s7], [sflag:$0x3] =	stream.linear.gather [hbm4b:s30+s4], $0x80, $0x38;
	[tilespmem:$0x2A80] =	vst v63  }
0xc: {  	_ =	swait.ge [sflag:s29], $0x80  }
0xd: {  	[sflag:s29] =	ssyncset.done $0x0  }
0xe: {  	[sflag:s29] =	ssyncadd.s32 $0xFFFFFF80  }
0xf: {  	s31 =	simm.s32 $0x0;
	v1 =	vld [tilespmem:$0x1A00]  }
0x10: {  	v0 =	vld [tilespmem:s31+$0x0];
	_ =	sdelay $0x3  }
0x11: {  	v2 =	vmov s5  }
0x12: {  	vm1 =	vlt.u32 v2, $0x186A0;
	vm0 =	vge.f32 v0, v1  }
0x13: {  	v2 =	vimm.s32 $0x0;
	vm0 =	vmand vm1, vm0  }
0x14: {  	v0 =	vsel vm0, $0x1, v2  }
0x15: {  	(xrf0) =	vadd.scan.msk.s32 $0xffff, v0;
	_ =	sdelay $0x5  }
0x16: {  	v3, _, _ =	vpop (xrf0)  }
0x17: {  	v0 =	vlaneseq.u32;
	(v2sf) =	vpush v3, $0xF  }
0x18: {  	s6 =	simm.s32 $0x80;
	v4 =	vor.u32 s5, v0  }
0x19: {  	s3 =	sadd.s32 $0x4C00, s2;
	s2 =	sadd.s32 $0x4E00, s2;
	s7 =	simm.s32 $0x10;
	[tilespmem:s4+$0x1880] =	vst.msk vm0, v4  }
.LBB2_1:
0x1a: {  	p1 =	sne.s32 s6, $0x61C0;
	v3 =	vld [tilespmem:s7+$0x0];
	_ =	sdelay $0x2  }
0x1b: {  	s5 =	sadd.s32 $0x10, s5  }
0x1c: {  	v4 =	vmov s5  }
0x1d: {  	vm1 =	vlt.u32 v4, $0x186A0;
	vm0 =	vge.f32 v3, v1  }
0x1e: {  	vm0 =	vmand vm1, vm0  }
0x1f: {  	v3 =	vsel vm0, $0x1, v2  }
0x20: {  	(xrf0) =	vadd.scan.msk.s32 $0xffff, v3;
	_ =	sdelay $0x3  }
0x21: {  	s7 =	spop (v2sf)  }
.Ltmp0:
0x22: {  	s4 =	sadd.s32 s4, s7;
	(pc) =	sbr.rel @p1 .LBB2_1-.Ltmp0, $4  }
0x23: {  	v3, _, _ =	vpop (xrf0);
	p2 =	slt.s32 s4, $0x100  }
0x24: {  	v4 =	vor.u32 s5, v0;
	(v2sf) =	vpush v3, $0xF;
	s4 =	simm.s32 @!p2 $0x100  }
0x25: {  	[tilespmem:s4+$0x1880] =	vst.msk vm0, v4  }
0x26: {  	s7 =	sshra.s32 s6, $0x2;
	s6 =	sadd.s32 $0x40, s6  }
0x27: {  	v3 =	vld [tilespmem:s7+$0x0];
	_ =	sdelay $0x2  }
0x28: {  	s5 =	sadd.s32 $0x10, s5  }
0x29: {  	v4 =	vmov s5  }
0x2a: {  	vm1 =	vlt.u32 v4, $0x186A0;
	vm0 =	vge.f32 v3, v1  }
0x2b: {  	vm0 =	vmand vm1, vm0  }
0x2c: {  	v63 =	vsel vm0, $0x1, v2  }
0x2d: {  	(xrf0) =	vadd.scan.msk.s32 $0xffff, v63;
	_ =	sdelay $0x5  }
0x2e: {  	v1, _, _ =	vpop (xrf0)  }
0x2f: {  	(v2sf) =	vpush v1, $0xF;
	_ =	sdelay $0xb  }
0x30: {  	s6 =	spop (v2sf)  }
0x31: {  	s4 =	sadd.s32 s4, s6  }
0x32: {  	p1 =	slt.s32 s4, $0x100  }
0x33: {  	s4 =	simm.s32 @!p1 $0x100;
	s26 =	spop (v2sf)  }
0x34: {  	s28 =	sadd.s32 s4, s26  }
0x35: {  	p1 =	slt.s32 s28, $0x100;
	s6 =	smov.u32 s28  }
0x36: {  	s6 =	simm.s32 @!p1 $0x100  }
0x37: {  	s8 =	sadd.s32 $0xF, s6  }
0x38: {  	s9 =	sand.u32 $0xF, s8  }
0x39: {  	p6 =	slt.s32 s28, $0xFFFFFFF2;
	s30 =	sshra.s32 s8, $0x1F;
	p2 =	sne.s32 s9, $0x0  }
0x3a: {  	s7 =	sshrl.u32 s30, $0x1C;
	p1 =	por !p6, !p2  }
0x3b: {  	s7 =	sadd.s32 s7, s8;
	s8 =	simm.s32 $0x1;
	p1 =	por !p1, !p1  }
0x3c: {  	s31 =	sshra.s32 s7, $0x4;
	s8 =	simm.s32 @!p1 $0x0  }
0x3d: {  	s29 =	simm.s32 $0x2;
	v0 =	vor.u32 s5, v0;
	s10 =	ssub.s32 s31, s8  }
0x3e: {  	[tilespmem:s4+$0x1880] =	vst.msk vm0, v0;
	[sflag:s29] =	ssyncset.done $0x0;
	s4 =	simm.s32 $0x0;
	p1 =	slt.s32 s10, $0x1  }
.Ltmp1:
0x3f: {  	[smem:s4], [sflag:$0x2] =	smem.add.s32 s6;
	(pc) =	sbr.rel @p1 .LBB2_9-.Ltmp1, $4  }
0x40: {  	_ =	swait.done [sflag:s29]  }
0x41: {  	s7 =	ssyncread [sflag:$0x2]  }
0x42: {  	[sflag:s29] =	ssyncset.s32 $0x0  }
0x43: {  	s5 =	simm.s32 $0x1;
	[sflag:s29] =	ssyncset.done $0x0  }
0x44: {  	v3 =	vlaneseq.u32  }
0x45: {  	v4 =	vmov s7;
	v0 =	vor.u32 s4, v3  }
0x46: {  	v5 =	vmov s6;
	p2 =	sne.s32 s10, $0x1;
	v2 =	vadd.s32 v4, v0  }
.Ltmp2:
0x47: {  	vm0 =	vlt.s32 v0, v5;
	vm1 =	vlt.s32 v2, $0x100;
	(pc) =	sbr.rel @!p2 .LBB2_4-.Ltmp2, $4  }
0x48: {  	vm1 =	vmand vm0, vm1  }
0x49: {  	v1 =	vand.u32 $0x7, v3;
	v0 =	vshrl.u32 v3, $0x3;
	v6 =	vnsel vm1, $0x108, v2  }
0x4a: {  	s9 =	simm.s32 $0x1880;
	s6 =	simm.s32 $0x3;
	s7 =	simm.s32 $0x1A80;
	v0 =	vmul.u32 $0x8, v0;
	vm0 =	vmmov $0xffff;
	v7 =	vshll.u32 v6, $0x1  }
0x4b: {  	s8 =	simm.s32 $0x2280;
	s11 =	sadd.s32 $0xFFFFFFFF, s10;
	p1 =	por $0x0, $0x0;
	v8 =	vnsel vm1, $0x1FC, v2;
	v2 =	vor.u32 $0x8, v3;
	v7 =	vand.u32 $0xFFFFFFF0, v7  }
0x4c: {  	_ =	sdelay $0x3  }
0x4d: {  	[hbm4b:s3+s4] =	stream.indirect_vreg.scatter [tilespmem:s9], [sflag:$0x3], $0x1, v8, vm0, $0xb8;
	[tilespmem:$0x2A80] =	vst v63  }
0x4e: {  	_ =	swait.ge [sflag:s6], $0x10  }
0x4f: {  	[sflag:s6] =	ssyncset.done $0x0  }
0x50: {  	[sflag:s6] =	ssyncadd.s32 $0xFFFFFFF0  }
0x51: {  	v8 =	vld [tilespmem:s9+$0x0];
	_ =	sdelay $0x4  }
0x52: {  	vm1 =	vgt.s32 v8, $0x0  }
0x53: {  	v8 =	vnsel vm1, $0x0, v8  }
0x54: {  	v8 =	vmin.u32 v8, $0x1869F  }
0x55: {  	v9 =	vshll.u32 v8, $0x1  }
0x56: {  	v8 =	vand.u32 $0x7, v8;
	v9 =	vand.u32 $0x3FFF0, v9  }
0x57: {  	v8 =	vor.u32 v8, v9  }
0x58: {  	v9 =	vperm.xlane v8, v1;
	_ =	sdelay $0x1  }
0x59: {  	v8 =	vperm.xlane v8, v2;
	v9 =	vadd.s32 v0, v9;
	_ =	sdelay $0x1  }
0x5a: {  	v6 =	vand.u32 $0x7, v6;
	v8 =	vadd.s32 v0, v8  }
0x5b: {  	v6 =	vor.u32 v6, v7  }
0x5c: {  	v7 =	vperm.xlane v6, v1  }
0x5d: {  	[tilespmem:s7], [sflag:$0x1] =	stream.indirect_vreg.gather [hbm4b:s1+s4], $0x80, v9, vm0, $0xb8;
	[tilespmem:$0x2A80] =	vst v63  }
0x5e: {  	v7 =	vadd.s32 v0, v7  }
0x5f: {  	v6 =	vperm.xlane v6, v2;
	[tilespmem:s8], [sflag:$0x1] =	stream.indirect_vreg.gather [hbm4b:s1+s4], $0x80, v8, vm0, $0xb8;
	[tilespmem:$0x2A80] =	vst v63  }
0x60: {  	_ =	swait.ge [sflag:s5], $0x1000  }
0x61: {  	s10 =	simm.s32 $0x10;
	v8 =	vadd.s32 v0, v6;
	[sflag:s5] =	ssyncset.done $0x0  }
0x62: {  	p2 =	sne.s32 s11, $0x1;
	v6 =	vor.u32 s10, v3;
	[sflag:s5] =	ssyncadd.s32 $0xFFFFF000  }
0x63: {  	v9 =	vadd.s32 v4, v6;
	[hbm4b:s2+s4] =	stream.indirect_vreg.scatter [tilespmem:s7], [sflag:$0x3], $0x80, v7, vm0, $0xb8;
	[tilespmem:$0x2A80] =	vst v63  }
.Ltmp3:
0x64: {  	vm1 =	vlt.s32 v6, v5;
	vm2 =	vlt.s32 v9, $0x100;
	(pc) =	sbr.rel @!p2 .LBB2_6-.Ltmp3, $4  }
0x65: {  	vm1 =	vmand vm1, vm2  }
0x66: {  	v6 =	vnsel vm1, $0x108, v9;
	[hbm4b:s2+s4] =	stream.indirect_vreg.scatter [tilespmem:s8], [sflag:$0x3], $0x80, v8, vm0, $0xb8;
	v8 =	vnsel vm1, $0x1FC, v9;
	[tilespmem:$0x2A80] =	vst v63  }
0x67: {  	s11 =	sadd.s32 $0xFFFFFFFF, s11;
	v7 =	vshll.u32 v6, $0x1;
	_ =	swait.ge [sflag:s6], $0x1000  }
0x68: {  	p1 =	por $0x1, $0x1;
	s12 =	simm.s32 $0x1880;
	v7 =	vand.u32 $0xFFFFFFF0, v7;
	[sflag:s6] =	ssyncset.done $0x0  }
.LBB2_7:
0x69: {  	p2 =	sne.s32 s11, $0x1;
	[sflag:s6] =	ssyncadd.s32 $0xFFFFF000;
	s12 =	sadd.s32 $0x10, s12  }
0x6a: {  	s11 =	sadd.s32 $0xFFFFFFFF, s11  }
0x6b: {  	[hbm4b:s3+s4] =	stream.indirect_vreg.scatter [tilespmem:s12], [sflag:$0x3], $0x1, v8, vm0, $0xb8;
	[tilespmem:$0x2A80] =	vst v63  }
0x6c: {  	_ =	swait.ge [sflag:s6], $0x10  }
0x6d: {  	[sflag:s6] =	ssyncset.done $0x0  }
0x6e: {  	[sflag:s6] =	ssyncadd.s32 $0xFFFFFFF0  }
0x6f: {  	v8 =	vld [tilespmem:s12+$0x0];
	_ =	sdelay $0x4  }
0x70: {  	vm1 =	vgt.s32 v8, $0x0  }
0x71: {  	v8 =	vnsel vm1, $0x0, v8  }
0x72: {  	v8 =	vmin.u32 v8, $0x1869F  }
0x73: {  	v9 =	vshll.u32 v8, $0x1  }
0x74: {  	v8 =	vand.u32 $0x7, v8;
	v9 =	vand.u32 $0x3FFF0, v9  }
0x75: {  	v8 =	vor.u32 v8, v9  }
0x76: {  	v9 =	vperm.xlane v8, v1;
	v8 =	vperm.xlane v8, v2;
	_ =	sdelay $0x1  }
0x77: {  	v9 =	vadd.s32 v0, v9;
	_ =	sdelay $0x1  }
0x78: {  	v6 =	vand.u32 $0x7, v6;
	v8 =	vadd.s32 v0, v8  }
0x79: {  	v6 =	vor.u32 v6, v7  }
0x7a: {  	v7 =	vperm.xlane v6, v1;
	v6 =	vperm.xlane v6, v2  }
0x7b: {  	[tilespmem:s7], [sflag:$0x1] =	stream.indirect_vreg.gather [hbm4b:s1+s4], $0x80, v9, vm0, $0xb8;
	[tilespmem:$0x2A80] =	vst v63  }
0x7c: {  	v7 =	vadd.s32 v0, v7  }
0x7d: {  	[tilespmem:s8], [sflag:$0x1] =	stream.indirect_vreg.gather [hbm4b:s1+s4], $0x80, v8, vm0, $0xb8;
	[tilespmem:$0x2A80] =	vst v63  }
0x7e: {  	s10 =	sadd.s32 $0x10, s10;
	v9 =	vadd.s32 v0, v6;
	_ =	swait.ge [sflag:s5], $0x1000  }
0x7f: {  	v6 =	vor.u32 s10, v3;
	[sflag:s5] =	ssyncset.done $0x0  }
0x80: {  	v10 =	vadd.s32 v4, v6;
	[sflag:s5] =	ssyncadd.s32 $0xFFFFF000  }
0x81: {  	[hbm4b:s2+s4] =	stream.indirect_vreg.scatter [tilespmem:s7], [sflag:$0x3], $0x80, v7, vm0, $0xb8;
	[tilespmem:$0x2A80] =	vst v63  }
.Ltmp4:
0x82: {  	vm1 =	vlt.s32 v6, v5;
	vm2 =	vlt.s32 v10, $0x100;
	(pc) =	sbr.rel @p2 .LBB2_7-.Ltmp4, $4  }
0x83: {  	vm1 =	vmand vm1, vm2  }
0x84: {  	v8 =	vnsel vm1, $0x1FC, v10;
	v6 =	vnsel vm1, $0x108, v10;
	[hbm4b:s2+s4] =	stream.indirect_vreg.scatter [tilespmem:s8], [sflag:$0x3], $0x80, v9, vm0, $0xb8;
	[tilespmem:$0x2A80] =	vst v63  }
0x85: {  	v7 =	vshll.u32 v6, $0x1;
	_ =	swait.ge [sflag:s6], $0x1000  }
0x86: {  	v7 =	vand.u32 $0xFFFFFFF0, v7;
	[sflag:s6] =	ssyncset.done $0x0  }
.LBB2_8:
0x87: {  	_ =	sdelay $0x1  }
0x88: {  	s10 =	sadd.s32 @p1 $0x10, s12  }
0x89: {  	[sflag:s6] =	ssyncadd.s32 @p1 $0xFFFFF000;
	s9 =	smov.u32 @p1 s10  }
0x8a: {  	[hbm4b:s3+s4] =	stream.indirect_vreg.scatter [tilespmem:s9], [sflag:$0x3], $0x1, v8, vm0, $0xb8;
	[tilespmem:$0x2A80] =	vst v63  }
0x8b: {  	_ =	swait.ge [sflag:s6], $0x10  }
0x8c: {  	[sflag:s6] =	ssyncset.done $0x0  }
0x8d: {  	[sflag:s6] =	ssyncadd.s32 $0xFFFFFFF0  }
0x8e: {  	v3 =	vld [tilespmem:s9+$0x0];
	_ =	sdelay $0x4  }
0x8f: {  	vm1 =	vgt.s32 v3, $0x0  }
0x90: {  	v3 =	vnsel vm1, $0x0, v3  }
0x91: {  	v3 =	vmin.u32 v3, $0x1869F  }
0x92: {  	v4 =	vshll.u32 v3, $0x1  }
0x93: {  	v3 =	vand.u32 $0x7, v3;
	v4 =	vand.u32 $0x3FFF0, v4  }
0x94: {  	v3 =	vor.u32 v3, v4  }
0x95: {  	v4 =	vperm.xlane v3, v1;
	_ =	sdelay $0x1  }
0x96: {  	v3 =	vperm.xlane v3, v2;
	v4 =	vadd.s32 v0, v4;
	_ =	sdelay $0x1  }
0x97: {  	v5 =	vand.u32 $0x7, v6;
	v3 =	vadd.s32 v0, v3  }
0x98: {  	v5 =	vor.u32 v5, v7  }
0x99: {  	v61 =	vperm.xlane v5, v1  }
0x9a: {  	[tilespmem:s7], [sflag:$0x1] =	stream.indirect_vreg.gather [hbm4b:s1+s4], $0x80, v4, vm0, $0xb8;
	[tilespmem:$0x2A80] =	vst v63  }
0x9b: {  	v62 =	vperm.xlane v5, v2;
	v1 =	vadd.s32 v0, v61  }
0x9c: {  	[tilespmem:s8], [sflag:$0x1] =	stream.indirect_vreg.gather [hbm4b:s1+s4], $0x80, v3, vm0, $0xb8;
	[tilespmem:$0x2A80] =	vst v63  }
0x9d: {  	v63 =	vadd.s32 v0, v62;
	_ =	swait.ge [sflag:s5], $0x1000  }
0x9e: {  	[sflag:s5] =	ssyncset.done $0x0  }
0x9f: {  	[sflag:s5] =	ssyncadd.s32 $0xFFFFF000  }
0xa0: {  	[hbm4b:s2+s4] =	stream.indirect_vreg.scatter [tilespmem:s7], [sflag:$0x3], $0x80, v1, vm0, $0xb8;
	[tilespmem:$0x2A80] =	vst v63  }
0xa1: {  	_ = 	snop  }
0xa2: {  	[hbm4b:s2+s4] =	stream.indirect_vreg.scatter [tilespmem:s8], [sflag:$0x3], $0x80, v63, vm0, $0xb8;
	[tilespmem:$0x2A80] =	vst v63  }
0xa3: {  	_ =	swait.ge [sflag:s6], $0x1000  }
0xa4: {  	[sflag:s6] =	ssyncset.done $0x0  }
0xa5: {  	[sflag:s6] =	ssyncadd.s32 $0xFFFFF000  }
.LBB2_9:
0xa6: {  	_ =	sfence.sel $0x180000  }
0xa7: {  	[bflag:$0x0] =	sbarrier.arrive $0xFFFF  }
0xa8: {  	_ =	strace $0x90000047  }
0xa9: {  	s0 =	sadd.s32 @!p0 $0x100000, s0;
	[bflag:$0x2] =	sbarrier.arrive $0xFFFF  }
0xaa: {  	[sflag:s0] =	ssyncadd.tile.s32 @!p0 $0x1;
	_ =	shalt  }
.LBB2_4:
.Ltmp5:
0xab: {  	(pc) =	sbr.rel .LBB2_8-.Ltmp5, $2  }
0xac: {  	_ =	sdelay $0x2  }
0xad: {  	s12 =	simm.s32 $0x1880  }
.LBB2_6:
.Ltmp6:
0xae: {  	(pc) =	sbr.rel .LBB2_8-.Ltmp6, $2  }
0xaf: {  	_ =	sdelay $0x2  }
0xb0: {  	s12 =	simm.s32 $0x1880  }
.Lfunc_end2:
_tile_overlayer_lowered:
.L_overlay_start_2:
0xb1: {  	(tag) =	ssettag $0x2  }
0xb2: {  	s0 =	rddreg [dreg:$0x0];
	s2 =	stileid.u32  }
0xb3: {  	s1 =	rddreg [dreg:$0x1];
	p0 =	sne.s32 s2, $0x0  }
0xb4: {  	s3 =	rddreg [dreg:$0x2];
	[bflag:$0x3] =	sbarrier.arrive $0xFFFF;
	s2 =	simm.s32 @!p0 $0x1C02  }
0xb5: {  	[timem:s3], [sflag:s2] =	dma.local @!p0 [hbm:s0], s1  }
0xb6: {  	s0 =	simm.s32 @!p0 $0x2  }
0xb7: {  	_ =	swait.ge @!p0 [sflag:s0], s1  }
0xb8: {  	s1 =	ssub.s32 @!p0 $0x0, s1;
	[sflag:s0] =	ssyncset.done @!p0 $0x0  }
0xb9: {  	[sflag:s0] =	ssyncadd.s32 @!p0 s1  }
0xba: {  	[bflag:$0x3] =	sbarrier.arrive $0xFFFF  }
0xbb: {  	_ =	shalt  }

</sc_bundles>
